<compile_context>
chip_gen: v7x
topology: tpu7x:2x2x1
jax: 0.10.2.dev20260603
libtpu: 0.0.44.dev20260713+nightly
codegen_flags: <defaults>
</compile_context>

<pallas_src>
import functools

import jax
import jax.numpy as jnp
from jax import lax
from jax.experimental import pallas as pl
from jax.experimental.pallas import tpu as pltpu
from jax.experimental.pallas import tpu_sc as plsc

_MEM = 65536
_DIM = 512
_B = 1024
_THRES = 0.7
_EPS = 1e-8
_BLK = 2048
_NBLK = _MEM // _BLK
_NC = 2
_NS = 16
_NW = _NC * _NS
_BPW = _B // _NW


def _matmul_argmax_body(q_ref, key_ref, val_ref, out_ref, idx_ref,
                        bestv_ref, bestk_ref, cosb_ref):
    k = pl.program_id(0)
    out_ref[:, :_DIM] = key_ref[...]
    out_ref[:, _DIM:] = val_ref[...]
    cos = lax.dot_general(q_ref[...], key_ref[...], (((1,), (1,)), ((), ())),
                          preferred_element_type=jnp.float32)
    m = jnp.max(cos, axis=1, keepdims=True)

    @pl.when(k == 0)
    def _():
        bestv_ref[...] = m
        bestk_ref[...] = jnp.zeros((_B, 1), jnp.int32)
        cosb_ref[...] = cos

    @pl.when(k > 0)
    def _():
        better = m > bestv_ref[...]
        bestv_ref[...] = jnp.where(better, m, bestv_ref[...])
        bestk_ref[...] = jnp.where(better, k, bestk_ref[...])
        cosb_ref[...] = jnp.where(better, cos, cosb_ref[...])

    @pl.when(k == _NBLK - 1)
    def _():
        col = lax.broadcasted_iota(jnp.int32, (_B, _BLK), 1)
        a = jnp.min(jnp.where(cosb_ref[...] == bestv_ref[...], col, _BLK),
                    axis=1, keepdims=True)
        idx_ref[...] = a + bestk_ref[...] * _BLK


def _update_body(q_ref, cf_ref, gk_ref, gv_ref, t1_ref, old_ref,
                 wrow_ref, wi_ref):
    q = q_ref[...]
    cf = cf_ref[...]
    gk = gk_ref[...]
    gv = gv_ref[...]
    kl = jnp.sum(cf * (jnp.log(cf + _EPS) - jnp.log(gv + _EPS)),
                 axis=1, keepdims=True)
    case1 = kl < _THRES
    upd = q + gk
    nrm = jnp.sqrt(jnp.sum(upd * upd, axis=1, keepdims=True))
    upd = upd / jnp.maximum(nrm, 1e-12)
    wk = jnp.where(case1, upd, q)
    wv = jnp.where(case1, gv, cf)
    wi = jnp.where(case1, t1_ref[...], old_ref[...])
    wif = wi.astype(jnp.float32)
    eye = (lax.broadcasted_iota(jnp.int32, (_B, _B), 0)
           == lax.broadcasted_iota(jnp.int32, (_B, _B), 1)).astype(jnp.float32)
    wirow = lax.dot_general(wif, eye, (((0,), (0,)), ((), ())),
                            precision=lax.Precision.HIGHEST,
                            preferred_element_type=jnp.float32)
    eq = wif == wirow
    row_ids = lax.broadcasted_iota(jnp.int32, (_B, _B), 1)
    winner = jnp.max(jnp.where(eq, row_ids, -1), axis=1, keepdims=True)
    onehot = (row_ids == winner).astype(jnp.float32)
    wkv = jnp.concatenate([wk, wv], axis=1)
    gathered = lax.dot_general(onehot, wkv, (((1,), (0,)), ((), ())),
                               preferred_element_type=jnp.float32)
    self_id = lax.broadcasted_iota(jnp.int32, (_B, 1), 0)
    wrow_ref[...] = jnp.where(winner == self_id, wkv, gathered)
    wi_ref[...] = wi


def _sc_gather_body(t1_hbm, key_hbm, val_hbm, gk_hbm, gv_hbm,
                    idx_v, rows_v, sem):
    wid = lax.axis_index("s") * _NC + lax.axis_index("c")
    base = wid * _BPW
    pltpu.sync_copy(t1_hbm.at[pl.ds(base, _BPW)], idx_v)
    pltpu.async_copy(key_hbm.at[idx_v], rows_v, sem).wait()
    pltpu.sync_copy(rows_v, gk_hbm.at[pl.ds(base, _BPW)])
    pltpu.async_copy(val_hbm.at[idx_v], rows_v, sem).wait()
    pltpu.sync_copy(rows_v, gv_hbm.at[pl.ds(base, _BPW)])


def _sc_scatter_body(wi_hbm, rows_hbm, out_hbm, idx_v, rows_v, sem):
    wid = lax.axis_index("s") * _NC + lax.axis_index("c")
    base = wid * _BPW
    pltpu.sync_copy(wi_hbm.at[pl.ds(base, _BPW)], idx_v)
    pltpu.sync_copy(rows_hbm.at[pl.ds(base, _BPW)], rows_v)
    pltpu.async_copy(rows_v, out_hbm.at[idx_v], sem).wait()


@functools.lru_cache(maxsize=None)
def _sc_kernels():
    mesh = plsc.VectorSubcoreMesh(core_axis_name="c", subcore_axis_name="s",
                                  num_cores=_NC, num_subcores=_NS)
    gather = pl.kernel(
        _sc_gather_body,
        out_type=[jax.ShapeDtypeStruct((_B, _DIM), jnp.float32)] * 2,
        mesh=mesh,
        scratch_types=[
            pltpu.VMEM((_BPW,), jnp.int32),
            pltpu.VMEM((_BPW, _DIM), jnp.float32),
            pltpu.SemaphoreType.DMA,
        ],
    )
    scatter = pl.kernel(
        _sc_scatter_body,
        out_type=(),
        mesh=mesh,
        scratch_types=[
            pltpu.VMEM((_BPW,), jnp.int32),
            pltpu.VMEM((_BPW, 2 * _DIM), jnp.float32),
            pltpu.SemaphoreType.DMA,
        ],
    )
    return gather, scatter


def kernel(spatial_key, color_value, age, query, color_feat):
    out_base, top1 = pl.pallas_call(
        _matmul_argmax_body,
        grid=(_NBLK,),
        in_specs=[
            pl.BlockSpec((_B, _DIM), lambda k: (0, 0)),
            pl.BlockSpec((_BLK, _DIM), lambda k: (k, 0)),
            pl.BlockSpec((_BLK, _DIM), lambda k: (k, 0)),
        ],
        out_specs=[
            pl.BlockSpec((_BLK, 2 * _DIM), lambda k: (k, 0)),
            pl.BlockSpec((_B, 1), lambda k: (0, 0)),
        ],
        out_shape=[
            jax.ShapeDtypeStruct((_MEM, 2 * _DIM), jnp.float32),
            jax.ShapeDtypeStruct((_B, 1), jnp.int32),
        ],
        scratch_shapes=[
            pltpu.VMEM((_B, 1), jnp.float32),
            pltpu.VMEM((_B, 1), jnp.int32),
            pltpu.VMEM((_B, _BLK), jnp.float32),
        ],
        compiler_params=pltpu.CompilerParams(
            dimension_semantics=("arbitrary",),
            vmem_limit_bytes=60 * 1024 * 1024),
    )(query, spatial_key, color_value)

    oldest = lax.top_k(age, _B)[1].astype(jnp.int32)

    gather, scatter = _sc_kernels()
    gk, gv = gather(top1.reshape(_B), spatial_key, color_value)

    wrow, wi = pl.pallas_call(
        _update_body,
        in_specs=[pl.BlockSpec(memory_space=pltpu.VMEM)] * 6,
        out_specs=[pl.BlockSpec(memory_space=pltpu.VMEM)] * 2,
        out_shape=[
            jax.ShapeDtypeStruct((_B, 2 * _DIM), jnp.float32),
            jax.ShapeDtypeStruct((_B, 1), jnp.int32),
        ],
        compiler_params=pltpu.CompilerParams(
            vmem_limit_bytes=60 * 1024 * 1024),
    )(query, color_feat, gk, gv, top1, oldest.reshape(_B, 1))

    out_ref = jax.new_ref(out_base)
    scatter(wi.reshape(_B), wrow, out_ref)
    return out_ref[...]

# --- scband reference (transcript-rebuilt; emitter-appended) ---
"""Pipeline reference for scband-memory-network-61684320305314 (READ-ONLY COPY).

The authoritative reference and input builder live on the scoring server;
editing this copy changes nothing except your own understanding.
"""

import jax, jax.numpy as jnp
import numpy as np

MEM_SIZE = 65536
DIM = 512
TOP_K = 256
COLOR_THRES = 0.7
B = 1024
EPS = 1e-8


def _l2norm(x):
    return x / jnp.clip(jnp.linalg.norm(x, axis=1, keepdims=True), 1e-12)


def _l1norm(x):
    return x / jnp.clip(jnp.sum(jnp.abs(x), axis=1, keepdims=True), 1e-12)


def setup_inputs(seed: int = 0) -> dict:
    key = jax.random.key(seed)
    k1, k2, k3, k4, k5 = jax.random.split(key, 5)
    # memory banks, initialized exactly like Memory_Network.__init__
    spatial_key = _l2norm(jax.random.uniform(k1, (MEM_SIZE, DIM), minval=-0.01, maxval=0.01))
    color_value = _l1norm(jax.random.uniform(k2, (MEM_SIZE, DIM), minval=0.0, maxval=0.01))
    age = jax.random.uniform(k3, (MEM_SIZE,), minval=0.0, maxval=1.0)
    # query = spatial feature (stands in for ResNet18(x) output, L2-normalized)
    query = _l2norm(jax.random.normal(k4, (B, DIM)))
    # color_feat = target color distribution (L1-normalized, nonnegative)
    color_feat = _l1norm(jax.random.uniform(k5, (B, DIM), minval=0.0, maxval=1.0))
    return {"spatial_key": spatial_key, "color_value": color_value, "age": age,
            "query": query, "color_feat": color_feat}


def reference(spatial_key, color_value, age, query, color_feat):
    # --- retrieval: cosine similarity of queries against all memory keys ---
    cosine = query @ spatial_key.T                      # [B, MEM_SIZE]
    topk_score, topk_idx = jax.lax.top_k(cosine, TOP_K)  # top-k retrieval
    top1_idx = topk_idx[:, 0]                            # [B]
    top1_value = jnp.take(color_value, top1_idx, axis=0)  # gather stored color dists
    # --- KL divergence between stored color dist and incoming color feat ---
    kl = jnp.sum(color_feat * (jnp.log(color_feat + EPS) - jnp.log(top1_value + EPS)), axis=1)
    case1 = kl < COLOR_THRES                             # case 1: refresh matched slot
    # case 1: slot key <- normalize(query + key); color value kept
    upd_key_case1 = _l2norm(query + jnp.take(spatial_key, top1_idx, axis=0))
    # case 2: overwrite the oldest slots with the new (key, value) pair
    oldest_idx = jnp.argsort(-age)[:B]                   # B oldest memory slots
    write_idx = jnp.where(case1, top1_idx, oldest_idx)   # [B]
    write_key = jnp.where(case1[:, None], upd_key_case1, query)
    write_val = jnp.where(case1[:, None], top1_value, color_feat)
    # --- scatter writes into the memory banks ---
    new_key = spatial_key.at[write_idx].set(write_key)
    new_val = color_value.at[write_idx].set(write_val)
    new_age = (age + 1.0).at[write_idx].set(0.0)
    del new_age, topk_score  # age update is side state; not part of float output
    return jnp.concatenate([new_key, new_val], axis=1)   # [MEM_SIZE, 2*DIM]

if __name__ == "__main__":
    import jax
    _d = setup_inputs()
    print(jax.jit(kernel)(*tuple(_d.values())))

</pallas_src>

<mosaic_0001>
#map = affine_map<(d0, d1) -> (0)>
#map1 = affine_map<(d0, d1) -> (0, 0)>
module attributes {stable_mosaic.version = 14 : i64} {
  func.func @_sc_gather_body(%arg0: i32, %arg1: i32, %arg2: memref<1024xi32, #tpu.memory_space<hbm>>, %arg3: memref<65536x512xf32, #tpu.memory_space<hbm>>, %arg4: memref<65536x512xf32, #tpu.memory_space<hbm>>, %arg5: memref<1024x512xf32, #tpu.memory_space<hbm>>, %arg6: memref<1024x512xf32, #tpu.memory_space<hbm>>, %arg7: memref<32xi32, #tpu.memory_space<vmem>>, %arg8: memref<32x512xf32, #tpu.memory_space<vmem>>, %arg9: memref<!tpu.dma_semaphore, #tpu.memory_space<semaphore_mem>>) attributes {dimension_semantics = [#tpu.dimension_semantics<core_parallel>, #tpu.dimension_semantics<subcore_parallel>], iteration_bounds = array<i64: 2, 16>, scalar_prefetch = 0 : i64, scratch_operands = 3 : i64, tpu.core_type = #tpu.core_type<sc_vector_subcore>, window_params = [{transform_indices = #map}, {transform_indices = #map1}, {transform_indices = #map1}, {transform_indices = #map1}, {transform_indices = #map1}]} {
    %mul3A = arith.constant 2 : i32
    %mul3A_0 = arith.muli %arg1, %mul3A : i32
    %add3A = arith.addi %mul3A_0, %arg0 : i32
    %mul3A_1 = arith.constant 32 : i32
    %mul3A_2 = arith.muli %add3A, %mul3A_1 : i32
    "tpu.region"() ({
      %run_scoped3A = tpu.sem_alloc : memref<!tpu.dma_semaphore, #tpu.memory_space<semaphore_mem>>
      %dma_start3A_13 = tpu.memref_slice %arg2[%mul3A_2] : memref<1024xi32, #tpu.memory_space<hbm>> -> memref<32xi32, #tpu.memory_space<hbm>>
      %dma_start3A_14 = tpu.memref_slice %arg2[%mul3A_2] : memref<1024xi32, #tpu.memory_space<hbm>> -> memref<32xi32, #tpu.memory_space<hbm>>
      tpu.enqueue_dma source(%dma_start3A_14 : memref<32xi32, #tpu.memory_space<hbm>>) target(%arg7 : memref<32xi32, #tpu.memory_space<vmem>>) target_semaphore(%run_scoped3A : memref<!tpu.dma_semaphore, #tpu.memory_space<semaphore_mem>>)
      %dma_wait3A_15 = tpu.memref_slice %arg2[%mul3A_2] : memref<1024xi32, #tpu.memory_space<hbm>> -> memref<32xi32, #tpu.memory_space<hbm>>
      %dma_wait3A_16 = tpu.memref_slice %arg2[%mul3A_2] : memref<1024xi32, #tpu.memory_space<hbm>> -> memref<32xi32, #tpu.memory_space<hbm>>
      tpu.wait_dma2 semaphore(%run_scoped3A : memref<!tpu.dma_semaphore, #tpu.memory_space<semaphore_mem>>) src(%dma_wait3A_16 : memref<32xi32, #tpu.memory_space<hbm>>) dst(%arg7 : memref<32xi32, #tpu.memory_space<vmem>>)
      tpu.yield
    }) : () -> ()
    %dma_start3A = arith.constant 0 : i32
    %dma_start3A_3 = arith.constant 0 : i32
    %dma_start3A_4 = tpu.memref_slice %arg3[%dma_start3A, %dma_start3A_3] : memref<65536x512xf32, #tpu.memory_space<hbm>> -> memref<65536x512xf32, #tpu.memory_space<hbm>>
    tpu.enqueue_indirect_dma source(%dma_start3A_4 : memref<65536x512xf32, #tpu.memory_space<hbm>>) target(%arg8 : memref<32x512xf32, #tpu.memory_space<vmem>>) offsets(%arg7 : memref<32xi32, #tpu.memory_space<vmem>>) semaphore(%arg9 : memref<!tpu.dma_semaphore, #tpu.memory_space<semaphore_mem>>)
    %dma_wait3A = arith.constant 0 : i32
    %dma_wait3A_5 = arith.constant 0 : i32
    %dma_wait3A_6 = tpu.memref_slice %arg3[%dma_wait3A, %dma_wait3A_5] : memref<65536x512xf32, #tpu.memory_space<hbm>> -> memref<65536x512xf32, #tpu.memory_space<hbm>>
    tpu.wait_indirect_dma semaphore(%arg9 : memref<!tpu.dma_semaphore, #tpu.memory_space<semaphore_mem>>) src(%dma_wait3A_6 : memref<65536x512xf32, #tpu.memory_space<hbm>>) dst(%arg8 : memref<32x512xf32, #tpu.memory_space<vmem>>)
    "tpu.region"() ({
      %run_scoped3A = tpu.sem_alloc : memref<!tpu.dma_semaphore, #tpu.memory_space<semaphore_mem>>
      %dma_start3A_13 = arith.constant 0 : i32
      %dma_start3A_14 = tpu.memref_slice %arg5[%mul3A_2, %dma_start3A_13] : memref<1024x512xf32, #tpu.memory_space<hbm>> -> memref<32x512xf32, #tpu.memory_space<hbm>>
      %dma_start3A_15 = arith.constant 0 : i32
      %dma_start3A_16 = tpu.memref_slice %arg5[%mul3A_2, %dma_start3A_15] : memref<1024x512xf32, #tpu.memory_space<hbm>> -> memref<32x512xf32, #tpu.memory_space<hbm>>
      tpu.enqueue_dma source(%arg8 : memref<32x512xf32, #tpu.memory_space<vmem>>) target(%dma_start3A_16 : memref<32x512xf32, #tpu.memory_space<hbm>>) target_semaphore(%run_scoped3A : memref<!tpu.dma_semaphore, #tpu.memory_space<semaphore_mem>>)
      %dma_wait3A_17 = arith.constant 0 : i32
      %dma_wait3A_18 = tpu.memref_slice %arg5[%mul3A_2, %dma_wait3A_17] : memref<1024x512xf32, #tpu.memory_space<hbm>> -> memref<32x512xf32, #tpu.memory_space<hbm>>
      %dma_wait3A_19 = arith.constant 0 : i32
      %dma_wait3A_20 = tpu.memref_slice %arg5[%mul3A_2, %dma_wait3A_19] : memref<1024x512xf32, #tpu.memory_space<hbm>> -> memref<32x512xf32, #tpu.memory_space<hbm>>
      tpu.wait_dma2 semaphore(%run_scoped3A : memref<!tpu.dma_semaphore, #tpu.memory_space<semaphore_mem>>) src(%arg8 : memref<32x512xf32, #tpu.memory_space<vmem>>) dst(%dma_wait3A_20 : memref<32x512xf32, #tpu.memory_space<hbm>>)
      tpu.yield
    }) : () -> ()
    %dma_start3A_7 = arith.constant 0 : i32
    %dma_start3A_8 = arith.constant 0 : i32
    %dma_start3A_9 = tpu.memref_slice %arg4[%dma_start3A_7, %dma_start3A_8] : memref<65536x512xf32, #tpu.memory_space<hbm>> -> memref<65536x512xf32, #tpu.memory_space<hbm>>
    tpu.enqueue_indirect_dma source(%dma_start3A_9 : memref<65536x512xf32, #tpu.memory_space<hbm>>) target(%arg8 : memref<32x512xf32, #tpu.memory_space<vmem>>) offsets(%arg7 : memref<32xi32, #tpu.memory_space<vmem>>) semaphore(%arg9 : memref<!tpu.dma_semaphore, #tpu.memory_space<semaphore_mem>>)
    %dma_wait3A_10 = arith.constant 0 : i32
    %dma_wait3A_11 = arith.constant 0 : i32
    %dma_wait3A_12 = tpu.memref_slice %arg4[%dma_wait3A_10, %dma_wait3A_11] : memref<65536x512xf32, #tpu.memory_space<hbm>> -> memref<65536x512xf32, #tpu.memory_space<hbm>>
    tpu.wait_indirect_dma semaphore(%arg9 : memref<!tpu.dma_semaphore, #tpu.memory_space<semaphore_mem>>) src(%dma_wait3A_12 : memref<65536x512xf32, #tpu.memory_space<hbm>>) dst(%arg8 : memref<32x512xf32, #tpu.memory_space<vmem>>)
    "tpu.region"() ({
      %run_scoped3A = tpu.sem_alloc : memref<!tpu.dma_semaphore, #tpu.memory_space<semaphore_mem>>
      %dma_start3A_13 = arith.constant 0 : i32
      %dma_start3A_14 = tpu.memref_slice %arg6[%mul3A_2, %dma_start3A_13] : memref<1024x512xf32, #tpu.memory_space<hbm>> -> memref<32x512xf32, #tpu.memory_space<hbm>>
      %dma_start3A_15 = arith.constant 0 : i32
      %dma_start3A_16 = tpu.memref_slice %arg6[%mul3A_2, %dma_start3A_15] : memref<1024x512xf32, #tpu.memory_space<hbm>> -> memref<32x512xf32, #tpu.memory_space<hbm>>
      tpu.enqueue_dma source(%arg8 : memref<32x512xf32, #tpu.memory_space<vmem>>) target(%dma_start3A_16 : memref<32x512xf32, #tpu.memory_space<hbm>>) target_semaphore(%run_scoped3A : memref<!tpu.dma_semaphore, #tpu.memory_space<semaphore_mem>>)
      %dma_wait3A_17 = arith.constant 0 : i32
      %dma_wait3A_18 = tpu.memref_slice %arg6[%mul3A_2, %dma_wait3A_17] : memref<1024x512xf32, #tpu.memory_space<hbm>> -> memref<32x512xf32, #tpu.memory_space<hbm>>
      %dma_wait3A_19 = arith.constant 0 : i32
      %dma_wait3A_20 = tpu.memref_slice %arg6[%mul3A_2, %dma_wait3A_19] : memref<1024x512xf32, #tpu.memory_space<hbm>> -> memref<32x512xf32, #tpu.memory_space<hbm>>
      tpu.wait_dma2 semaphore(%run_scoped3A : memref<!tpu.dma_semaphore, #tpu.memory_space<semaphore_mem>>) src(%arg8 : memref<32x512xf32, #tpu.memory_space<vmem>>) dst(%dma_wait3A_20 : memref<32x512xf32, #tpu.memory_space<hbm>>)
      tpu.yield
    }) : () -> ()
    return
  }
}

#map = affine_map<(d0, d1) -> (0)>
#map1 = affine_map<(d0, d1) -> (0, 0)>
module attributes {stable_mosaic.version = 14 : i64} {
  func.func @new_body(%arg0: i32, %arg1: i32, %arg2: memref<1024xi32, #tpu.memory_space<hbm>>, %arg3: memref<1024x1024xf32, #tpu.memory_space<hbm>>, %arg4: memref<65536x1024xf32, #tpu.memory_space<hbm>>, %arg5: memref<65536x1024xf32, #tpu.memory_space<hbm>>, %arg6: memref<32xi32, #tpu.memory_space<vmem>>, %arg7: memref<32x1024xf32, #tpu.memory_space<vmem>>, %arg8: memref<!tpu.dma_semaphore, #tpu.memory_space<semaphore_mem>>) attributes {dimension_semantics = [#tpu.dimension_semantics<core_parallel>, #tpu.dimension_semantics<subcore_parallel>], iteration_bounds = array<i64: 2, 16>, scalar_prefetch = 0 : i64, scratch_operands = 3 : i64, tpu.core_type = #tpu.core_type<sc_vector_subcore>, window_params = [{transform_indices = #map}, {transform_indices = #map1}, {transform_indices = #map1}, {transform_indices = #map1}]} {
    %mul3A = arith.constant 2 : i32
    %mul3A_0 = arith.muli %arg1, %mul3A : i32
    %add3A = arith.addi %mul3A_0, %arg0 : i32
    %mul3A_1 = arith.constant 32 : i32
    %mul3A_2 = arith.muli %add3A, %mul3A_1 : i32
    "tpu.region"() ({
      %run_scoped3A = tpu.sem_alloc : memref<!tpu.dma_semaphore, #tpu.memory_space<semaphore_mem>>
      %dma_start3A_7 = tpu.memref_slice %arg2[%mul3A_2] : memref<1024xi32, #tpu.memory_space<hbm>> -> memref<32xi32, #tpu.memory_space<hbm>>
      %dma_start3A_8 = tpu.memref_slice %arg2[%mul3A_2] : memref<1024xi32, #tpu.memory_space<hbm>> -> memref<32xi32, #tpu.memory_space<hbm>>
      tpu.enqueue_dma source(%dma_start3A_8 : memref<32xi32, #tpu.memory_space<hbm>>) target(%arg6 : memref<32xi32, #tpu.memory_space<vmem>>) target_semaphore(%run_scoped3A : memref<!tpu.dma_semaphore, #tpu.memory_space<semaphore_mem>>)
      %dma_wait3A_9 = tpu.memref_slice %arg2[%mul3A_2] : memref<1024xi32, #tpu.memory_space<hbm>> -> memref<32xi32, #tpu.memory_space<hbm>>
      %dma_wait3A_10 = tpu.memref_slice %arg2[%mul3A_2] : memref<1024xi32, #tpu.memory_space<hbm>> -> memref<32xi32, #tpu.memory_space<hbm>>
      tpu.wait_dma2 semaphore(%run_scoped3A : memref<!tpu.dma_semaphore, #tpu.memory_space<semaphore_mem>>) src(%dma_wait3A_10 : memref<32xi32, #tpu.memory_space<hbm>>) dst(%arg6 : memref<32xi32, #tpu.memory_space<vmem>>)
      tpu.yield
    }) : () -> ()
    "tpu.region"() ({
      %run_scoped3A = tpu.sem_alloc : memref<!tpu.dma_semaphore, #tpu.memory_space<semaphore_mem>>
      %dma_start3A_7 = arith.constant 0 : i32
      %dma_start3A_8 = tpu.memref_slice %arg3[%mul3A_2, %dma_start3A_7] : memref<1024x1024xf32, #tpu.memory_space<hbm>> -> memref<32x1024xf32, #tpu.memory_space<hbm>>
      %dma_start3A_9 = arith.constant 0 : i32
      %dma_start3A_10 = tpu.memref_slice %arg3[%mul3A_2, %dma_start3A_9] : memref<1024x1024xf32, #tpu.memory_space<hbm>> -> memref<32x1024xf32, #tpu.memory_space<hbm>>
      tpu.enqueue_dma source(%dma_start3A_10 : memref<32x1024xf32, #tpu.memory_space<hbm>>) target(%arg7 : memref<32x1024xf32, #tpu.memory_space<vmem>>) target_semaphore(%run_scoped3A : memref<!tpu.dma_semaphore, #tpu.memory_space<semaphore_mem>>)
      %dma_wait3A_11 = arith.constant 0 : i32
      %dma_wait3A_12 = tpu.memref_slice %arg3[%mul3A_2, %dma_wait3A_11] : memref<1024x1024xf32, #tpu.memory_space<hbm>> -> memref<32x1024xf32, #tpu.memory_space<hbm>>
      %dma_wait3A_13 = arith.constant 0 : i32
      %dma_wait3A_14 = tpu.memref_slice %arg3[%mul3A_2, %dma_wait3A_13] : memref<1024x1024xf32, #tpu.memory_space<hbm>> -> memref<32x1024xf32, #tpu.memory_space<hbm>>
      tpu.wait_dma2 semaphore(%run_scoped3A : memref<!tpu.dma_semaphore, #tpu.memory_space<semaphore_mem>>) src(%dma_wait3A_14 : memref<32x1024xf32, #tpu.memory_space<hbm>>) dst(%arg7 : memref<32x1024xf32, #tpu.memory_space<vmem>>)
      tpu.yield
    }) : () -> ()
    %dma_start3A = arith.constant 0 : i32
    %dma_start3A_3 = arith.constant 0 : i32
    %dma_start3A_4 = tpu.memref_slice %arg4[%dma_start3A, %dma_start3A_3] : memref<65536x1024xf32, #tpu.memory_space<hbm>> -> memref<65536x1024xf32, #tpu.memory_space<hbm>>
    tpu.enqueue_indirect_dma source(%arg7 : memref<32x1024xf32, #tpu.memory_space<vmem>>) target(%dma_start3A_4 : memref<65536x1024xf32, #tpu.memory_space<hbm>>) offsets(%arg6 : memref<32xi32, #tpu.memory_space<vmem>>) semaphore(%arg8 : memref<!tpu.dma_semaphore, #tpu.memory_space<semaphore_mem>>)
    %dma_wait3A = arith.constant 0 : i32
    %dma_wait3A_5 = arith.constant 0 : i32
    %dma_wait3A_6 = tpu.memref_slice %arg4[%dma_wait3A, %dma_wait3A_5] : memref<65536x1024xf32, #tpu.memory_space<hbm>> -> memref<65536x1024xf32, #tpu.memory_space<hbm>>
    tpu.wait_indirect_dma semaphore(%arg8 : memref<!tpu.dma_semaphore, #tpu.memory_space<semaphore_mem>>) src(%arg7 : memref<32x1024xf32, #tpu.memory_space<vmem>>) dst(%dma_wait3A_6 : memref<65536x1024xf32, #tpu.memory_space<hbm>>)
    return
  }
}

module attributes {stable_mosaic.version = 14 : i64} {
  func.func @_matmul_argmax_body(%arg0: i32, %arg1: memref<1024x512xf32, #tpu.memory_space<vmem>>, %arg2: memref<2048x512xf32, #tpu.memory_space<vmem>>, %arg3: memref<2048x512xf32, #tpu.memory_space<vmem>>, %arg4: memref<2048x1024xf32, #tpu.memory_space<vmem>>, %arg5: memref<1024x1xi32, #tpu.memory_space<vmem>>, %arg6: memref<1024x1xf32, #tpu.memory_space<vmem>>, %arg7: memref<1024x1xi32, #tpu.memory_space<vmem>>, %arg8: memref<1024x2048xf32, #tpu.memory_space<vmem>>) attributes {dimension_semantics = [#tpu.dimension_semantics<arbitrary>], iteration_bounds = array<i64: 32>, scalar_prefetch = 0 : i64, scratch_operands = 3 : i64, tpu.core_type = #tpu.core_type<tc>, window_params = [{pipeline_mode = #tpu.pipeline_mode<synchronous>, transform_indices = @transform_0, window_bounds = array<i64: 1024, 512>}, {transform_indices = @transform_1, window_bounds = array<i64: 2048, 512>}, {transform_indices = @transform_2, window_bounds = array<i64: 2048, 512>}, {transform_indices = @transform_3, window_bounds = array<i64: 2048, 1024>}, {pipeline_mode = #tpu.pipeline_mode<synchronous>, transform_indices = @transform_4, window_bounds = array<i64: 1024, 1>}]} {
    %get3A = arith.constant 0 : index
    %get3A_0 = arith.constant 0 : index
    %get3A_1 = vector.load %arg2[%get3A, %get3A_0] : memref<2048x512xf32, #tpu.memory_space<vmem>>, vector<2048x512xf32>
    %swap3A = arith.constant 0 : index
    %swap3A_2 = arith.constant 0 : index
    %swap3A_3 = vector.load %arg4[%swap3A, %swap3A_2] : memref<2048x1024xf32, #tpu.memory_space<vmem>>, vector<2048x512xf32>
    tpu.vector_store %arg4[%swap3A, %swap3A_2], %get3A_1 {strides = array<i32>} : memref<2048x1024xf32, #tpu.memory_space<vmem>>, vector<2048x512xf32>,
    %get3A_4 = arith.constant 0 : index
    %get3A_5 = arith.constant 0 : index
    %get3A_6 = vector.load %arg3[%get3A_4, %get3A_5] : memref<2048x512xf32, #tpu.memory_space<vmem>>, vector<2048x512xf32>
    %swap3A_7 = arith.constant 0 : index
    %swap3A_8 = arith.constant 512 : index
    %swap3A_9 = vector.load %arg4[%swap3A_7, %swap3A_8] : memref<2048x1024xf32, #tpu.memory_space<vmem>>, vector<2048x512xf32>
    tpu.vector_store %arg4[%swap3A_7, %swap3A_8], %get3A_6 {strides = array<i32>} : memref<2048x1024xf32, #tpu.memory_space<vmem>>, vector<2048x512xf32>,
    %get3A_10 = arith.constant 0 : index
    %get3A_11 = arith.constant 0 : index
    %get3A_12 = vector.load %arg1[%get3A_10, %get3A_11] : memref<1024x512xf32, #tpu.memory_space<vmem>>, vector<1024x512xf32>
    %get3A_13 = arith.constant 0 : index
    %get3A_14 = arith.constant 0 : index
    %get3A_15 = vector.load %arg2[%get3A_13, %get3A_14] : memref<2048x512xf32, #tpu.memory_space<vmem>>, vector<2048x512xf32>
    %dot_general3A = arith.constant dense<0.000000e+00> : vector<1024x2048xf32>
    %dot_general3A_16 = tpu.matmul %get3A_12, %get3A_15, %dot_general3A {dimension_numbers = #tpu.dot_dimension_numbers<[1], [1], [0], [0], [0, 0, 1, 0], [], []>, transpose_lhs_hint = false} : vector<1024x512xf32>, vector<2048x512xf32>, vector<1024x2048xf32> -> vector<1024x2048xf32>
    %reduce_max3A = arith.constant dense<0xFF800000> : vector<1024xf32>
    %reduce_max3A_17 = vector.multi_reduction <maximumf>, %dot_general3A_16, %reduce_max3A [1] : vector<1024x2048xf32> to vector<1024xf32>
    %broadcast_in_dim3A = vector.shape_cast %reduce_max3A_17 : vector<1024xf32> to vector<1024x1xf32>
    %eq3A = arith.constant 0 : i32
    %eq3A_18 = arith.cmpi eq, %arg0, %eq3A : i32
    %convert_element_type3A = arith.extui %eq3A_18 : i1 to i32
    %cond3A = arith.constant 0 : i32
    %cond3A_19 = arith.cmpi ne, %convert_element_type3A, %cond3A : i32
    scf.if %cond3A_19 {
      %swap3A_29 = arith.constant 0 : index
      %swap3A_30 = arith.constant 0 : index
      %swap3A_31 = vector.load %arg6[%swap3A_29, %swap3A_30] : memref<1024x1xf32, #tpu.memory_space<vmem>>, vector<1024x1xf32>
      tpu.vector_store %arg6[%swap3A_29, %swap3A_30], %broadcast_in_dim3A {strides = array<i32>} : memref<1024x1xf32, #tpu.memory_space<vmem>>, vector<1024x1xf32>,
      %broadcast_in_dim3A_32 = arith.constant 0 : i32
      %broadcast_in_dim3A_33 = vector.broadcast %broadcast_in_dim3A_32 : i32 to vector<1024x1xi32>
      %swap3A_34 = arith.constant 0 : index
      %swap3A_35 = arith.constant 0 : index
      %swap3A_36 = vector.load %arg7[%swap3A_34, %swap3A_35] : memref<1024x1xi32, #tpu.memory_space<vmem>>, vector<1024x1xi32>
      tpu.vector_store %arg7[%swap3A_34, %swap3A_35], %broadcast_in_dim3A_33 {strides = array<i32>} : memref<1024x1xi32, #tpu.memory_space<vmem>>, vector<1024x1xi32>,
      %swap3A_37 = arith.constant 0 : index
      %swap3A_38 = arith.constant 0 : index
      %swap3A_39 = vector.load %arg8[%swap3A_37, %swap3A_38] : memref<1024x2048xf32, #tpu.memory_space<vmem>>, vector<1024x2048xf32>
      tpu.vector_store %arg8[%swap3A_37, %swap3A_38], %dot_general3A_16 {strides = array<i32>} : memref<1024x2048xf32, #tpu.memory_space<vmem>>, vector<1024x2048xf32>,
    } else {
    }
    %gt3A = arith.constant 0 : i32
    %gt3A_20 = arith.cmpi sgt, %arg0, %gt3A : i32
    %convert_element_type3A_21 = arith.extui %gt3A_20 : i1 to i32
    %cond3A_22 = arith.constant 0 : i32
    %cond3A_23 = arith.cmpi ne, %convert_element_type3A_21, %cond3A_22 : i32
    scf.if %cond3A_23 {
      %get3A_29 = arith.constant 0 : index
      %get3A_30 = arith.constant 0 : index
      %get3A_31 = vector.load %arg6[%get3A_29, %get3A_30] : memref<1024x1xf32, #tpu.memory_space<vmem>>, vector<1024x1xf32>
      %gt3A_32 = arith.cmpf ogt, %broadcast_in_dim3A, %get3A_31 : vector<1024x1xf32>
      %get3A_33 = arith.constant 0 : index
      %get3A_34 = arith.constant 0 : index
      %get3A_35 = vector.load %arg6[%get3A_33, %get3A_34] : memref<1024x1xf32, #tpu.memory_space<vmem>>, vector<1024x1xf32>
      %select_n3A = arith.select %gt3A_32, %broadcast_in_dim3A, %get3A_35 : vector<1024x1xi1>, vector<1024x1xf32>
      %swap3A_36 = arith.constant 0 : index
      %swap3A_37 = arith.constant 0 : index
      %swap3A_38 = vector.load %arg6[%swap3A_36, %swap3A_37] : memref<1024x1xf32, #tpu.memory_space<vmem>>, vector<1024x1xf32>
      tpu.vector_store %arg6[%swap3A_36, %swap3A_37], %select_n3A {strides = array<i32>} : memref<1024x1xf32, #tpu.memory_space<vmem>>, vector<1024x1xf32>,
      %get3A_39 = arith.constant 0 : index
      %get3A_40 = arith.constant 0 : index
      %get3A_41 = vector.load %arg7[%get3A_39, %get3A_40] : memref<1024x1xi32, #tpu.memory_space<vmem>>, vector<1024x1xi32>
      %broadcast_in_dim3A_42 = vector.broadcast %arg0 : i32 to vector<1024x1xi32>
      %select_n3A_43 = arith.select %gt3A_32, %broadcast_in_dim3A_42, %get3A_41 : vector<1024x1xi1>, vector<1024x1xi32>
      %swap3A_44 = arith.constant 0 : index
      %swap3A_45 = arith.constant 0 : index
      %swap3A_46 = vector.load %arg7[%swap3A_44, %swap3A_45] : memref<1024x1xi32, #tpu.memory_space<vmem>>, vector<1024x1xi32>
      tpu.vector_store %arg7[%swap3A_44, %swap3A_45], %select_n3A_43 {strides = array<i32>} : memref<1024x1xi32, #tpu.memory_space<vmem>>, vector<1024x1xi32>,
      %get3A_47 = arith.constant 0 : index
      %get3A_48 = arith.constant 0 : index
      %get3A_49 = vector.load %arg8[%get3A_47, %get3A_48] : memref<1024x2048xf32, #tpu.memory_space<vmem>>, vector<1024x2048xf32>
      %broadcast_in_dim3A_50 = vector.shape_cast %gt3A_32 : vector<1024x1xi1> to vector<1024x1xi1>
      %broadcast_in_dim3A_51 = vector.broadcast %broadcast_in_dim3A_50 : vector<1024x1xi1> to vector<1024x2048xi1>
      %select_n3A_52 = arith.select %broadcast_in_dim3A_51, %dot_general3A_16, %get3A_49 : vector<1024x2048xi1>, vector<1024x2048xf32>
      %swap3A_53 = arith.constant 0 : index
      %swap3A_54 = arith.constant 0 : index
      %swap3A_55 = vector.load %arg8[%swap3A_53, %swap3A_54] : memref<1024x2048xf32, #tpu.memory_space<vmem>>, vector<1024x2048xf32>
      tpu.vector_store %arg8[%swap3A_53, %swap3A_54], %select_n3A_52 {strides = array<i32>} : memref<1024x2048xf32, #tpu.memory_space<vmem>>, vector<1024x2048xf32>,
    } else {
    }
    %eq3A_24 = arith.constant 31 : i32
    %eq3A_25 = arith.cmpi eq, %arg0, %eq3A_24 : i32
    %convert_element_type3A_26 = arith.extui %eq3A_25 : i1 to i32
    %cond3A_27 = arith.constant 0 : i32
    %cond3A_28 = arith.cmpi ne, %convert_element_type3A_26, %cond3A_27 : i32
    scf.if %cond3A_28 {
      %iota3A = tpu.iota {dimensions = array<i32: 1>} : vector<1024x2048xi32>
      %get3A_29 = arith.constant 0 : index
      %get3A_30 = arith.constant 0 : index
      %get3A_31 = vector.load %arg8[%get3A_29, %get3A_30] : memref<1024x2048xf32, #tpu.memory_space<vmem>>, vector<1024x2048xf32>
      %get3A_32 = arith.constant 0 : index
      %get3A_33 = arith.constant 0 : index
      %get3A_34 = vector.load %arg6[%get3A_32, %get3A_33] : memref<1024x1xf32, #tpu.memory_space<vmem>>, vector<1024x1xf32>
      %eq3A_35 = vector.broadcast %get3A_34 : vector<1024x1xf32> to vector<1024x2048xf32>
      %eq3A_36 = arith.cmpf oeq, %get3A_31, %eq3A_35 : vector<1024x2048xf32>
      %jit3A = arith.constant 2048 : i32
      %broadcast_in_dim3A_37 = vector.broadcast %jit3A : i32 to vector<1024x2048xi32>
      %select_n3A = arith.select %eq3A_36, %iota3A, %broadcast_in_dim3A_37 : vector<1024x2048xi1>, vector<1024x2048xi32>
      %reduce_min3A = arith.constant dense<2147483647> : vector<1024xi32>
      %reduce_min3A_38 = vector.multi_reduction <minsi>, %select_n3A, %reduce_min3A [1] : vector<1024x2048xi32> to vector<1024xi32>
      %broadcast_in_dim3A_39 = vector.shape_cast %reduce_min3A_38 : vector<1024xi32> to vector<1024x1xi32>
      %get3A_40 = arith.constant 0 : index
      %get3A_41 = arith.constant 0 : index
      %get3A_42 = vector.load %arg7[%get3A_40, %get3A_41] : memref<1024x1xi32, #tpu.memory_space<vmem>>, vector<1024x1xi32>
      %mul3A = arith.constant 2048 : i32
      %mul3A_43 = vector.broadcast %mul3A : i32 to vector<1024x1xi32>
      %mul3A_44 = arith.muli %get3A_42, %mul3A_43 : vector<1024x1xi32>
      %add3A = arith.addi %broadcast_in_dim3A_39, %mul3A_44 : vector<1024x1xi32>
      %swap3A_45 = arith.constant 0 : index
      %swap3A_46 = arith.constant 0 : index
      %swap3A_47 = vector.load %arg5[%swap3A_45, %swap3A_46] : memref<1024x1xi32, #tpu.memory_space<vmem>>, vector<1024x1xi32>
      tpu.vector_store %arg5[%swap3A_45, %swap3A_46], %add3A {strides = array<i32>} : memref<1024x1xi32, #tpu.memory_space<vmem>>, vector<1024x1xi32>,
    } else {
    }
    return
  }
  func.func @transform_0(%arg0: i32) -> (i32, i32) {
    %c0_i32 = arith.constant 0 : i32
    %c0_i32_0 = arith.constant 0 : i32
    %c0_i32_1 = arith.constant 0 : i32
    return %c0_i32, %c0_i32_0 : i32, i32
  }
  func.func @transform_1(%arg0: i32) -> (i32, i32) {
    %c0_i32 = arith.constant 0 : i32
    %c0_i32_0 = arith.constant 0 : i32
    return %arg0, %c0_i32 : i32, i32
  }
  func.func @transform_2(%arg0: i32) -> (i32, i32) {
    %c0_i32 = arith.constant 0 : i32
    %c0_i32_0 = arith.constant 0 : i32
    return %arg0, %c0_i32 : i32, i32
  }
  func.func @transform_3(%arg0: i32) -> (i32, i32) {
    %c0_i32 = arith.constant 0 : i32
    %c0_i32_0 = arith.constant 0 : i32
    return %arg0, %c0_i32 : i32, i32
  }
  func.func @transform_4(%arg0: i32) -> (i32, i32) {
    %c0_i32 = arith.constant 0 : i32
    %c0_i32_0 = arith.constant 0 : i32
    %c0_i32_1 = arith.constant 0 : i32
    return %c0_i32, %c0_i32_0 : i32, i32
  }
}

module attributes {stable_mosaic.version = 14 : i64} {
  func.func @_update_body(%arg0: memref<1024x512xf32, #tpu.memory_space<vmem>>, %arg1: memref<1024x512xf32, #tpu.memory_space<vmem>>, %arg2: memref<1024x512xf32, #tpu.memory_space<vmem>>, %arg3: memref<1024x512xf32, #tpu.memory_space<vmem>>, %arg4: memref<1024x1xi32, #tpu.memory_space<vmem>>, %arg5: memref<1024x1xi32, #tpu.memory_space<vmem>>, %arg6: memref<1024x1024xf32, #tpu.memory_space<vmem>>, %arg7: memref<1024x1xi32, #tpu.memory_space<vmem>>) attributes {dimension_semantics = [], scalar_prefetch = 0 : i64, scratch_operands = 0 : i64, tpu.core_type = #tpu.core_type<tc>} {
    %get3A = arith.constant 0 : index
    %get3A_0 = arith.constant 0 : index
    %get3A_1 = vector.load %arg0[%get3A, %get3A_0] : memref<1024x512xf32, #tpu.memory_space<vmem>>, vector<1024x512xf32>
    %get3A_2 = arith.constant 0 : index
    %get3A_3 = arith.constant 0 : index
    %get3A_4 = vector.load %arg1[%get3A_2, %get3A_3] : memref<1024x512xf32, #tpu.memory_space<vmem>>, vector<1024x512xf32>
    %get3A_5 = arith.constant 0 : index
    %get3A_6 = arith.constant 0 : index
    %get3A_7 = vector.load %arg2[%get3A_5, %get3A_6] : memref<1024x512xf32, #tpu.memory_space<vmem>>, vector<1024x512xf32>
    %get3A_8 = arith.constant 0 : index
    %get3A_9 = arith.constant 0 : index
    %get3A_10 = vector.load %arg3[%get3A_8, %get3A_9] : memref<1024x512xf32, #tpu.memory_space<vmem>>, vector<1024x512xf32>
    %add3A = arith.constant 9.99999993E-9 : f32
    %add3A_11 = vector.broadcast %add3A : f32 to vector<1024x512xf32>
    %add3A_12 = arith.addf %get3A_4, %add3A_11 : vector<1024x512xf32>
    %log3A = math.log %add3A_12 : vector<1024x512xf32>
    %add3A_13 = arith.constant 9.99999993E-9 : f32
    %add3A_14 = vector.broadcast %add3A_13 : f32 to vector<1024x512xf32>
    %add3A_15 = arith.addf %get3A_10, %add3A_14 : vector<1024x512xf32>
    %log3A_16 = math.log %add3A_15 : vector<1024x512xf32>
    %sub3A = arith.subf %log3A, %log3A_16 : vector<1024x512xf32>
    %mul3A = arith.mulf %get3A_4, %sub3A : vector<1024x512xf32>
    %reduce_sum3A = arith.constant dense<0.000000e+00> : vector<1024xf32>
    %reduce_sum3A_17 = vector.multi_reduction <add>, %mul3A, %reduce_sum3A [1] : vector<1024x512xf32> to vector<1024xf32>
    %broadcast_in_dim3A = vector.shape_cast %reduce_sum3A_17 : vector<1024xf32> to vector<1024x1xf32>
    %lt3A = arith.constant 0.699999988 : f32
    %lt3A_18 = vector.broadcast %lt3A : f32 to vector<1024x1xf32>
    %lt3A_19 = arith.cmpf olt, %broadcast_in_dim3A, %lt3A_18 : vector<1024x1xf32>
    %add3A_20 = arith.addf %get3A_1, %get3A_7 : vector<1024x512xf32>
    %mul3A_21 = arith.mulf %add3A_20, %add3A_20 : vector<1024x512xf32>
    %reduce_sum3A_22 = arith.constant dense<0.000000e+00> : vector<1024xf32>
    %reduce_sum3A_23 = vector.multi_reduction <add>, %mul3A_21, %reduce_sum3A_22 [1] : vector<1024x512xf32> to vector<1024xf32>
    %broadcast_in_dim3A_24 = vector.shape_cast %reduce_sum3A_23 : vector<1024xf32> to vector<1024x1xf32>
    %sqrt3A = math.sqrt %broadcast_in_dim3A_24 : vector<1024x1xf32>
    %max3A = arith.constant 9.99999996E-13 : f32
    %max3A_25 = vector.broadcast %max3A : f32 to vector<1024x1xf32>
    %max3A_26 = arith.maximumf %sqrt3A, %max3A_25 : vector<1024x1xf32>
    %div3A = vector.broadcast %max3A_26 : vector<1024x1xf32> to vector<1024x512xf32>
    %div3A_27 = arith.divf %add3A_20, %div3A : vector<1024x512xf32>
    %broadcast_in_dim3A_28 = vector.shape_cast %lt3A_19 : vector<1024x1xi1> to vector<1024x1xi1>
    %broadcast_in_dim3A_29 = vector.broadcast %broadcast_in_dim3A_28 : vector<1024x1xi1> to vector<1024x512xi1>
    %select_n3A = arith.select %broadcast_in_dim3A_29, %div3A_27, %get3A_1 : vector<1024x512xi1>, vector<1024x512xf32>
    %broadcast_in_dim3A_30 = vector.shape_cast %lt3A_19 : vector<1024x1xi1> to vector<1024x1xi1>
    %broadcast_in_dim3A_31 = vector.broadcast %broadcast_in_dim3A_30 : vector<1024x1xi1> to vector<1024x512xi1>
    %select_n3A_32 = arith.select %broadcast_in_dim3A_31, %get3A_10, %get3A_4 : vector<1024x512xi1>, vector<1024x512xf32>
    %get3A_33 = arith.constant 0 : index
    %get3A_34 = arith.constant 0 : index
    %get3A_35 = vector.load %arg4[%get3A_33, %get3A_34] : memref<1024x1xi32, #tpu.memory_space<vmem>>, vector<1024x1xi32>
    %get3A_36 = arith.constant 0 : index
    %get3A_37 = arith.constant 0 : index
    %get3A_38 = vector.load %arg5[%get3A_36, %get3A_37] : memref<1024x1xi32, #tpu.memory_space<vmem>>, vector<1024x1xi32>
    %select_n3A_39 = arith.select %lt3A_19, %get3A_35, %get3A_38 : vector<1024x1xi1>, vector<1024x1xi32>
    %convert_element_type3A = arith.sitofp %select_n3A_39 : vector<1024x1xi32> to vector<1024x1xf32>
    %iota3A = tpu.iota {dimensions = array<i32: 0>} : vector<1024x1024xi32>
    %iota3A_40 = tpu.iota {dimensions = array<i32: 1>} : vector<1024x1024xi32>
    %eq3A = arith.cmpi eq, %iota3A, %iota3A_40 : vector<1024x1024xi32>
    %convert_element_type3A_41 = arith.extui %eq3A : vector<1024x1024xi1> to vector<1024x1024xi32>
    %convert_element_type3A_42 = arith.sitofp %convert_element_type3A_41 : vector<1024x1024xi32> to vector<1024x1024xf32>
    %dot_general3A = arith.constant dense<0.000000e+00> : vector<1x1024xf32>
    %dot_general3A_43 = tpu.matmul %convert_element_type3A, %convert_element_type3A_42, %dot_general3A {dimension_numbers = #tpu.dot_dimension_numbers<[0], [0], [1], [1], [0, 1, 1, 1], [], []>, precision = #tpu.contract_precision<fp32>, transpose_lhs_hint = false} : vector<1024x1xf32>, vector<1024x1024xf32>, vector<1x1024xf32> -> vector<1x1024xf32>
    %eq3A_44 = vector.broadcast %convert_element_type3A : vector<1024x1xf32> to vector<1024x1024xf32>
    %eq3A_45 = vector.broadcast %dot_general3A_43 : vector<1x1024xf32> to vector<1024x1024xf32>
    %eq3A_46 = arith.cmpf oeq, %eq3A_44, %eq3A_45 : vector<1024x1024xf32>
    %iota3A_47 = tpu.iota {dimensions = array<i32: 1>} : vector<1024x1024xi32>
    %jit3A = arith.constant -1 : i32
    %broadcast_in_dim3A_48 = vector.broadcast %jit3A : i32 to vector<1024x1024xi32>
    %select_n3A_49 = arith.select %eq3A_46, %iota3A_47, %broadcast_in_dim3A_48 : vector<1024x1024xi1>, vector<1024x1024xi32>
    %reduce_max3A = arith.constant dense<-2147483648> : vector<1024xi32>
    %reduce_max3A_50 = vector.multi_reduction <maxsi>, %select_n3A_49, %reduce_max3A [1] : vector<1024x1024xi32> to vector<1024xi32>
    %broadcast_in_dim3A_51 = vector.shape_cast %reduce_max3A_50 : vector<1024xi32> to vector<1024x1xi32>
    %eq3A_52 = vector.broadcast %broadcast_in_dim3A_51 : vector<1024x1xi32> to vector<1024x1024xi32>
    %eq3A_53 = arith.cmpi eq, %iota3A_47, %eq3A_52 : vector<1024x1024xi32>
    %convert_element_type3A_54 = arith.extui %eq3A_53 : vector<1024x1024xi1> to vector<1024x1024xi32>
    %convert_element_type3A_55 = arith.sitofp %convert_element_type3A_54 : vector<1024x1024xi32> to vector<1024x1024xf32>
    %concatenate3A = tpu.concatenate %select_n3A, %select_n3A_32 in 1 : vector<1024x512xf32>, vector<1024x512xf32> -> vector<1024x1024xf32>
    %dot_general3A_56 = arith.constant dense<0.000000e+00> : vector<1024x1024xf32>
    %dot_general3A_57 = tpu.matmul %convert_element_type3A_55, %concatenate3A, %dot_general3A_56 {dimension_numbers = #tpu.dot_dimension_numbers<[1], [0], [0], [1], [0, 0, 1, 1], [], []>, transpose_lhs_hint = false} : vector<1024x1024xf32>, vector<1024x1024xf32>, vector<1024x1024xf32> -> vector<1024x1024xf32>
    %iota3A_58 = tpu.iota {dimensions = array<i32: 0>} : vector<1024x1xi32>
    %eq3A_59 = arith.cmpi eq, %broadcast_in_dim3A_51, %iota3A_58 : vector<1024x1xi32>
    %broadcast_in_dim3A_60 = vector.shape_cast %eq3A_59 : vector<1024x1xi1> to vector<1024x1xi1>
    %broadcast_in_dim3A_61 = vector.broadcast %broadcast_in_dim3A_60 : vector<1024x1xi1> to vector<1024x1024xi1>
    %select_n3A_62 = arith.select %broadcast_in_dim3A_61, %concatenate3A, %dot_general3A_57 : vector<1024x1024xi1>, vector<1024x1024xf32>
    %swap3A = arith.constant 0 : index
    %swap3A_63 = arith.constant 0 : index
    %swap3A_64 = vector.load %arg6[%swap3A, %swap3A_63] : memref<1024x1024xf32, #tpu.memory_space<vmem>>, vector<1024x1024xf32>
    tpu.vector_store %arg6[%swap3A, %swap3A_63], %select_n3A_62 {strides = array<i32>} : memref<1024x1024xf32, #tpu.memory_space<vmem>>, vector<1024x1024xf32>,
    %swap3A_65 = arith.constant 0 : index
    %swap3A_66 = arith.constant 0 : index
    %swap3A_67 = vector.load %arg7[%swap3A_65, %swap3A_66] : memref<1024x1xi32, #tpu.memory_space<vmem>>, vector<1024x1xi32>
    tpu.vector_store %arg7[%swap3A_65, %swap3A_66], %select_n3A_39 {strides = array<i32>} : memref<1024x1xi32, #tpu.memory_space<vmem>>, vector<1024x1xi32>,
    return
  }
}

</mosaic_0001>

<sc_bundles>
// kernel: kernel.6.cloned.1.call-start
scs
__scs_entry_jumppad:
0x0: {  	(pc) =	sbr.rel $0x88, $3  }
0x1: {  	(tag) =	ssettag $0x0;
	lr =	simm.s32 $0x1  }
0x2: {  	[smem:$0x3F9C] =	sst lr;
	_ =	strace $0xD0000000  }
0x3: {  	_ = 	snop  }
0x4: {  	_ = 	snop  }
0x5: {  	_ = 	snop  }
0x6: {  	_ = 	snop  }
0x7: {  	_ = 	snop  }
__scs_overlays_trampoline_lowered:
0x8: {  	[smem:$0x3FAB] =	sst s0  }
0x9: {  	[smem:$0x3FAC] =	sst s1  }
0xa: {  	[smem:$0x3FAD] =	sst s2  }
0xb: {  	[smem:$0x3FAE] =	sst s3  }
0xc: {  	[smem:$0x3FAF] =	sst s4  }
0xd: {  	[smem:$0x3FB0] =	sst s5  }
0xe: {  	[smem:$0x3FB1] =	sst s6  }
0xf: {  	[smem:$0x3FB2] =	sst s7  }
0x10: {  	[smem:$0x3FB3] =	sst s8  }
0x11: {  	[smem:$0x3FB4] =	sst s9;
	s0 =	simm.s32 @!p0 $0x0  }
0x12: {  	s1 =	sld [smem:$0x3F9A];
	s0 =	simm.s32 @p0 $0x1  }
0x13: {  	[smem:$0x3FB5] =	sst s0;
	s0 =	simm.s32 @!p1 $0x0  }
0x14: {  	s2 =	sld [smem:$0x3F99];
	s0 =	simm.s32 @p1 $0x1  }
0x15: {  	[smem:$0x3FB6] =	sst s0;
	s0 =	simm.s32 @!p2 $0x0  }
0x16: {  	s3 =	sld [smem:$0x3FDB];
	s0 =	simm.s32 @p2 $0x1  }
0x17: {  	s4 =	simm.s32 $0x1BF5;
	[smem:$0x3FB8] =	sst s0  }
0x18: {  	s0 =	sld [smem:$0x3F9B];
	_ =	swait.ge [sflag:s4], $0x0  }
0x19: {  	s7 =	sld [smem:$0x3F9C]  }
0x1a: {  	s8 =	sadd.s32 $0xFFFFE003, lr  }
0x1b: {  	s9 =	sadd.s32 $0xFFFFFEF7, lr;
	s5 =	simm.s32 $0xFFFFFFFF;
	p2 =	slt.u32 s8, $0xFFFFF086  }
0x1c: {  	p1 =	slt.u32 s9, $0xF7A;
	s5 =	simm.s32 @!p2 $0x0  }
0x1d: {  	s5 =	simm.s32 @p1 $0x1;
	p0 =	seq.s32 s7, s2  }
0x1e: {  	s7 =	smul.u32 @!p0 $0xF7A, s2;
	p2 =	seq.s32 @!p0 s5, $0x0  }
0x1f: {  	s9 =	smul.u32 $0xF7A, s1;
	s8 =	simm.s32 @!p0 $0x1BF5;
	p2 =	por !p2, p0  }
0x20: {  	[sflag:s8] =	ssyncset.s32 @!p0 $0xFFFFF086;
	s6 =	sadd.s32 @!p0 s3, s7;
	s7 =	simm.s32 @!p0 $0x108  }
0x21: {  	s3 =	sadd.s32 s3, s9;
	s6 =	sadd.s32 @!p0 $0x88, s6;
	s7 =	simm.s32 @p2 $0x1082  }
0x22: {  	[simem:s7], [sflag:s8] =	dma.local @!p0 [hbm:s6], $0xF7A  }
0x23: {  	s9 =	sor.u32 $0xD0000000, s2;
	s6 =	simm.s32 $0x108;
	_ =	swait.ge @!p0 [sflag:s8], $0x0  }
0x24: {  	s3 =	sadd.s32 $0x88, s3;
	s6 =	simm.s32 @!p1 $0x1082;
	[sflag:s4] =	ssyncset.s32 $0xFFFFF086  }
0x25: {  	[simem:s6], [sflag:s4] =	dma.local [hbm:s3], $0xF7A  }
0x26: {  	[smem:$0x3F9C] =	sst s1;
	(tag) =	ssettag s2;
	_ =	strace s9  }
0x27: {  	s1 =	sld [smem:$0x3FAC]  }
0x28: {  	s2 =	sld [smem:$0x3FAD]  }
0x29: {  	s4 =	sld [smem:$0x3FAF]  }
0x2a: {  	p0 =	seq.s32 s5, $0x0;
	s5 =	sld [smem:$0x3FB0]  }
0x2b: {  	s6 =	sld [smem:$0x3FB1]  }
0x2c: {  	s7 =	sld [smem:$0x3FB2]  }
0x2d: {  	s3 =	simm.s32 $0x108;
	s8 =	sld [smem:$0x3FB3]  }
0x2e: {  	s3 =	simm.s32 @!p0 $0x1082;
	s9 =	sld [smem:$0x3FB4]  }
0x2f: {  	lr =	sadd.s32 s0, s3;
	s0 =	sld [smem:$0x3FAB]  }
0x30: {  	s3 =	sld [smem:$0x3FAE]  }
0x31: {  	[smem:$0x3FB7] =	sst s10  }
0x32: {  	s10 =	sld [smem:$0x3FB5];
	_ =	sdelay $0x3  }
0x33: {  	p0 =	seq.s32 s10, $0x1;
	s10 =	sld [smem:$0x3FB7];
	_ =	sdelay $0x3  }
0x34: {  	[smem:$0x3FB7] =	sst s10  }
0x35: {  	s10 =	sld [smem:$0x3FB6];
	_ =	sdelay $0x3  }
0x36: {  	p1 =	seq.s32 s10, $0x1;
	s10 =	sld [smem:$0x3FB7];
	_ =	sdelay $0x3  }
0x37: {  	[smem:$0x3FB7] =	sst s10  }
0x38: {  	s10 =	sld [smem:$0x3FB8]  }
0x39: {  	_ = 	snop;
	(pc) =	sbr.ind lr, $3  }
0x3a: {  	_ = 	snop  }
0x3b: {  	_ = 	snop  }
0x3c: {  	p2 =	seq.s32 s10, $0x1;
	s10 =	sld [smem:$0x3FB7]  }
0x3d: {  	_ =	shalt  }
0x3e: {  	_ =	shalt  }
0x3f: {  	_ =	shalt  }
0x40: {  	_ =	shalt  }
0x41: {  	_ =	shalt  }
0x42: {  	_ =	shalt  }
0x43: {  	_ =	shalt  }
0x44: {  	_ =	shalt  }
0x45: {  	_ =	shalt  }
0x46: {  	_ =	shalt  }
0x47: {  	_ =	shalt  }
0x48: {  	_ =	shalt  }
0x49: {  	_ =	shalt  }
0x4a: {  	_ =	shalt  }
0x4b: {  	_ =	shalt  }
0x4c: {  	_ =	shalt  }
0x4d: {  	_ =	shalt  }
0x4e: {  	_ =	shalt  }
0x4f: {  	_ =	shalt  }
0x50: {  	_ =	shalt  }
0x51: {  	_ =	shalt  }
0x52: {  	_ =	shalt  }
0x53: {  	_ =	shalt  }
0x54: {  	_ =	shalt  }
0x55: {  	_ =	shalt  }
0x56: {  	_ =	shalt  }
0x57: {  	_ =	shalt  }
0x58: {  	_ =	shalt  }
0x59: {  	_ =	shalt  }
0x5a: {  	_ =	shalt  }
0x5b: {  	_ =	shalt  }
0x5c: {  	_ =	shalt  }
0x5d: {  	_ =	shalt  }
0x5e: {  	_ =	shalt  }
0x5f: {  	_ =	shalt  }
0x60: {  	_ =	shalt  }
0x61: {  	_ =	shalt  }
0x62: {  	_ =	shalt  }
0x63: {  	_ =	shalt  }
0x64: {  	_ =	shalt  }
0x65: {  	_ =	shalt  }
0x66: {  	_ =	shalt  }
0x67: {  	_ =	shalt  }
0x68: {  	_ =	shalt  }
0x69: {  	_ =	shalt  }
0x6a: {  	_ =	shalt  }
0x6b: {  	_ =	shalt  }
0x6c: {  	_ =	shalt  }
0x6d: {  	_ =	shalt  }
0x6e: {  	_ =	shalt  }
0x6f: {  	_ =	shalt  }
0x70: {  	_ =	shalt  }
0x71: {  	_ =	shalt  }
0x72: {  	_ =	shalt  }
0x73: {  	_ =	shalt  }
0x74: {  	_ =	shalt  }
0x75: {  	_ =	shalt  }
0x76: {  	_ =	shalt  }
0x77: {  	_ =	shalt  }
0x78: {  	_ =	shalt  }
0x79: {  	_ =	shalt  }
0x7a: {  	_ =	shalt  }
0x7b: {  	_ =	shalt  }
0x7c: {  	_ =	shalt  }
0x7d: {  	_ =	shalt  }
0x7e: {  	_ =	shalt  }
0x7f: {  	_ =	shalt  }
0x80: {  	_ =	shalt  }
0x81: {  	_ =	shalt  }
0x82: {  	_ =	shalt  }
0x83: {  	_ =	shalt  }
0x84: {  	_ =	shalt  }
0x85: {  	_ =	shalt  }
0x86: {  	_ =	shalt  }
0x87: {  	_ =	shalt  }
.Lfunc_end0:
.L_simem_size_0:
called_computation_lowered:
.L_overlay_start_0:
0x88: {  	s2 =	sld [smem:$0x3FD9]  }
0x89: {  	s3 =	sld [smem:$0x3FFE];
	_ =	sdelay $0x1  }
0x8a: {  	s1 =	srdreg.scid  }
0x8b: {  	s0 =	sand.u32 $0x1, s1  }
0x8c: {  	s17 =	sshll.u32 s0, $0xA;
	s2 =	sadd.s32 s3, s2  }
0x8d: {  	s2 =	sadd.s32 s2, s17  }
0x8e: {  	[smem:$0x3FC3] =	sst s2  }
0x8f: {  	_ = 	snop  }
0x90: {  	s2 =	sld [smem:$0x3FC9]  }
0x91: {  	s18 =	sld [smem:$0x3FC8];
	(tm) =	ssettm $0x1  }
0x92: {  	s4 =	sld [smem:$0x3FFB];
	_ =	sdelay $0x3  }
0x93: {  	_ =	strace s4  }
0x94: {  	s4 =	sld [smem:$0x3FFC];
	_ =	sdelay $0x3  }
0x95: {  	_ =	strace s4  }
0x96: {  	s4 =	sld [smem:$0x3FFD];
	_ =	sdelay $0x3  }
0x97: {  	_ =	strace s4  }
0x98: {  	_ =	strace $0x8FFFFFFF  }
0x99: {  	s19 =	sld [smem:$0x3FDB];
	_ =	sdelay $0x1  }
0x9a: {  	s5 =	simm.s32 $_scs_section_size  }
0x9b: {  	s6 =	simm.s32 $_size__tile_overlayer_lowered;
	s7 =	simm.s32 $_tile_overlayer_lowered  }
0x9c: {  	s22 =	simm.s32 $0x1BFF;
	s21 =	sshll.u32 s7, $0x1;
	s4 =	sadd.s32 s5, s19  }
0x9d: {  	s8 =	simm.s32 $0x0;
	s20 =	sshll.u32 s6, $0x1;
	s6 =	sadd.s32 s21, s4  }
0x9e: {  	[timem:s8], [sflag:s22] =	dma.local [hbm:s6], s20  }
0x9f: {  	_ =	swait.ge [sflag:s22], s20  }
0xa0: {  	s5 =	ssub.s32 $0x0, s20;
	[sflag:s22] =	ssyncset.done $0x0  }
0xa1: {  	[sflag:s22] =	ssyncadd.s32 s5;
	_ =	sdelay $0x1  }
0xa2: {  	s23 =	simm.s32 $0x1B8B  }
0xa3: {  	_ =	swait.ge [sflag:s23], $0x1  }
0xa4: {  	[sflag:s23] =	ssyncset.done $0x0  }
0xa5: {  	s25 =	simm.s32 $0x1B8E;
	s24 =	sld [smem:$0x3FFE];
	[sflag:s23] =	ssyncadd.s32 $0xFFFFFFFF  }
0xa6: {  	s26 =	simm.s32 $execute0_lowered;
	[smem:$0x3FD2] =	sst s25  }
0xa7: {  	s6 =	sshll.u32 s26, $0x1;
	_ =	strace $0x80000046;
	[dreg:$0x1] =	wrdreg $0xFFFFFFFF  }
0xa8: {  	s28 =	simm.s32 $_size_execute0_lowered;
	s4 =	sadd.s32 s4, s6;
	[dreg:$0x0] =	wrdreg $0x0  }
0xa9: {  	s6 =	sshll.u32 s28, $0x1;
	[dreg:$0x2] =	wrdreg s4  }
0xaa: {  	[dreg:$0x3] =	wrdreg s6  }
0xab: {  	[dreg:$0x4] =	wrdreg $0xC0  }
0xac: {  	_ =	task [dreg:s8], $0x5FFFF  }
0xad: {  	[dreg:$0x1] =	wrdreg $0xFFFFFFFF  }
0xae: {  	[dreg:$0x0] =	wrdreg $0x60  }
0xaf: {  	[dreg:$0x2] =	wrdreg s24  }
0xb0: {  	[dreg:$0x3] =	wrdreg s2  }
0xb1: {  	[dreg:$0x4] =	wrdreg s18  }
0xb2: {  	[dreg:$0x5] =	wrdreg $0x9  }
0xb3: {  	_ =	task.clear_ibuf [dreg:s8], $0x6FFFF;
	_ =	strace $0x90000046  }
0xb4: {  	s29 =	simm.s32 $0x9;
	_ =	strace $0x80000048  }
0xb5: {  	_ =	swait.ge [sflag:s29], $0x1  }
0xb6: {  	[sflag:s29] =	ssyncadd.s32 $0xFFFFFFFF  }
0xb7: {  	_ =	strace $0x90000048  }
0xb8: {  	_ =	sfence  }
0xb9: {  	s30 =	sld [smem:$0x0];
	_ =	sdelay $0x2  }
0xba: {  	s31 =	sshll.u32 s1, $0xD;
	s1 =	sshrl.u32 s1, $0x2  }
0xbb: {  	s3 =	sand.u32 $0x4000, s31;
	s1 =	sadd.s32 s1, s30  }
0xbc: {  	s0 =	sor.u32 s3, s0;
	s1 =	sshll.u32 s1, $0x11  }
0xbd: {  	s0 =	sor.u32 s1, s0  }
0xbe: {  	s0 =	sadd.s32 $0x8F2B, s0  }
0xbf: {  	[sflag:s0] =	ssyncadd.remote.s32 $0x1  }
0xc0: {  	_ =	sfence.sel $0xFFFF  }
0xc1: {  	[dreg:$0x0] =	wrdreg $0xFFFFFFFF;
	(pc) =	sbr.abs _section_cstart, $3  }
0xc2: {  	[dreg:$0x1] =	wrdreg $0xFFFFFFFF  }
0xc3: {  	_ =	task.clear_ibuf [dreg:s8], $0x2FFFF;
	_ =	strace $0x9FFFFFFF  }
0xc4: {  	(tm) =	ssettm $0x7FFFFFFF  }
0xc5: {  	_ =	shalt  }
tec
execute0_lowered:
.L_overlay_start_1:
0x0: {  	(tag) =	ssettag $0x1  }
0x1: {  	s5 =	rddreg [dreg:$0x0]  }
0x2: {  	s2 =	rddreg [dreg:$0x1]  }
0x3: {  	s3 =	rddreg [dreg:$0x2];
	s4 =	srdreg.scid  }
0x4: {  	s0 =	rddreg [dreg:$0x3];
	s1 =	stileid.u32  }
0x5: {  	s12 =	simm.s32 $0x80;
	s13 =	simm.s32 $0x880;
	s14 =	simm.s32 $0x1080  }
0x6: {  	s15 =	simm.s32 $0x1880;
	s16 =	simm.s32 $0x2080;
	s17 =	simm.s32 $0x2880  }
0x7: {  	s18 =	simm.s32 $0x3080;
	s19 =	simm.s32 $0x3880;
	s20 =	simm.s32 $0x1  }
0x8: {  	s6 =	sand.u32 $0x1, s4;
	s4 =	simm.s32 $0x0;
	s7 =	sshll.u32 s1, $0x6  }
0x9: {  	s8 =	sshll.u32 s6, $0x5;
	[smem:$0x7FF] =	sst s4;
	s6 =	ssub.s32 $0x2, s6  }
0xa: {  	s7 =	sor.u32 s8, s7;
	_ =	strace $0x80000047;
	s9 =	sshrl.u32 s6, $0x1  }
0xb: {  	s8 =	sshrl.u32 s7, $0x3;
	s7 =	sshll.u32 s7, $0x6;
	s11 =	ssub.s32 s6, s9  }
0xc: {  	v2 =	vlaneseq.u32;
	s6 =	sadd.s32 $0x100, s2;
	s8 =	sadd.s32 s8, s5;
	s10 =	sadd.s32 s7, s5  }
0xd: {  	vm0 =	vmmov $0xffff;
	v1 =	vshrl.u32 v2, $0x3;
	s5 =	sadd.s32 $0x4000, s8;
	s7 =	sadd.s32 $0x4200, s10;
	s8 =	sadd.s32 $0x100, s3  }
0xe: {  	v0 =	vand.u32 $0x7, v2;
	v2 =	vor.u32 $0x8, v2;
	v1 =	vmul.u32 $0x8, v1;
	s9 =	sadd.s32 $0x14200, s10;
	s10 =	smax.u32 s11, $0x1;
	s11 =	simm.s32 $0x2  }
.LBB2_1:
0xf: {  	[tilespmem:s4], [sflag:$0x2] =	stream.linear.gather [hbm4b:s5+s4], $0x20, $0x38;
	[tilespmem:$0x4080] =	vst v63  }
0x10: {  	_ =	swait.ge [sflag:s11], $0x20  }
0x11: {  	[sflag:s11] =	ssyncset.done $0x0  }
0x12: {  	[sflag:s11] =	ssyncadd.s32 $0xFFFFFFE0  }
0x13: {  	v3 =	vld [tilespmem:$0x0];
	_ =	sdelay $0x4  }
0x14: {  	v4 =	vshll.u32 v3, $0x2  }
0x15: {  	v3 =	vand.u32 $0x7, v3;
	v4 =	vand.u32 $0xFFFFFFE0, v4  }
0x16: {  	v3 =	vor.u32 v3, v4  }
0x17: {  	v4 =	vperm.xlane v3, v0;
	_ =	sdelay $0x1  }
0x18: {  	v4 =	vadd.s32 v1, v4;
	_ =	sdelay $0x1  }
0x19: {  	v3 =	vperm.xlane v3, v2;
	_ =	sdelay $0x1  }
0x1a: {  	v3 =	vadd.s32 v1, v3  }
0x1b: {  	[tilespmem:s12], [sflag:$0x1] =	stream.indirect_vreg.gather [hbm4b:s2+s4], $0x80, v4, vm0, $0xb8;
	[tilespmem:$0x4080] =	vst v63  }
0x1c: {  	_ = 	snop  }
0x1d: {  	[tilespmem:s13], [sflag:$0x1] =	stream.indirect_vreg.gather [hbm4b:s6+s4], $0x80, v4, vm0, $0xb8;
	[tilespmem:$0x4080] =	vst v63  }
0x1e: {  	_ = 	snop  }
0x1f: {  	[tilespmem:s14], [sflag:$0x1] =	stream.indirect_vreg.gather [hbm4b:s2+s4], $0x80, v3, vm0, $0xb8;
	[tilespmem:$0x4080] =	vst v63  }
0x20: {  	_ = 	snop  }
0x21: {  	[tilespmem:s15], [sflag:$0x1] =	stream.indirect_vreg.gather [hbm4b:s6+s4], $0x80, v3, vm0, $0xb8;
	[tilespmem:$0x4080] =	vst v63  }
0x22: {  	v3 =	vld [tilespmem:$0x10];
	_ =	sdelay $0x4  }
0x23: {  	v61 =	vshll.u32 v3, $0x2  }
0x24: {  	v3 =	vand.u32 $0x7, v3;
	v4 =	vand.u32 $0xFFFFFFE0, v61  }
0x25: {  	v3 =	vor.u32 v3, v4  }
0x26: {  	v4 =	vperm.xlane v3, v0;
	_ =	sdelay $0x1  }
0x27: {  	v4 =	vadd.s32 v1, v4;
	_ =	sdelay $0x1  }
0x28: {  	v3 =	vperm.xlane v3, v2;
	_ =	sdelay $0x1  }
0x29: {  	v3 =	vadd.s32 v1, v3  }
0x2a: {  	[tilespmem:s16], [sflag:$0x1] =	stream.indirect_vreg.gather [hbm4b:s2+s4], $0x80, v4, vm0, $0xb8;
	[tilespmem:$0x4080] =	vst v63  }
0x2b: {  	_ = 	snop  }
0x2c: {  	[tilespmem:s17], [sflag:$0x1] =	stream.indirect_vreg.gather [hbm4b:s6+s4], $0x80, v4, vm0, $0xb8;
	[tilespmem:$0x4080] =	vst v63  }
0x2d: {  	_ = 	snop  }
0x2e: {  	[tilespmem:s18], [sflag:$0x1] =	stream.indirect_vreg.gather [hbm4b:s2+s4], $0x80, v3, vm0, $0xb8;
	[tilespmem:$0x4080] =	vst v63  }
0x2f: {  	_ = 	snop  }
0x30: {  	[tilespmem:s19], [sflag:$0x1] =	stream.indirect_vreg.gather [hbm4b:s6+s4], $0x80, v3, vm0, $0xb8;
	[tilespmem:$0x4080] =	vst v63  }
0x31: {  	_ =	swait.ge [sflag:s20], $0x4000  }
0x32: {  	[sflag:s20] =	ssyncset.done $0x0  }
0x33: {  	[sflag:s20] =	ssyncadd.s32 $0xFFFFC000  }
0x34: {  	[hbm4b:s7+s4] =	stream.linear.scatter [tilespmem:s12], [sflag:$0x2], $0x4000, $0x38;
	[tilespmem:$0x4080] =	vst v63  }
0x35: {  	_ =	swait.ge [sflag:s11], $0x4000  }
0x36: {  	[sflag:s11] =	ssyncset.done $0x0  }
0x37: {  	[sflag:s11] =	ssyncadd.s32 $0xFFFFC000  }
0x38: {  	v3 =	vld [tilespmem:$0x0];
	_ =	sdelay $0x4  }
0x39: {  	v62 =	vshll.u32 v3, $0x2  }
0x3a: {  	v3 =	vand.u32 $0x7, v3;
	v4 =	vand.u32 $0xFFFFFFE0, v62  }
0x3b: {  	v3 =	vor.u32 v3, v4  }
0x3c: {  	v4 =	vperm.xlane v3, v0;
	_ =	sdelay $0x1  }
0x3d: {  	v4 =	vadd.s32 v1, v4;
	_ =	sdelay $0x1  }
0x3e: {  	v3 =	vperm.xlane v3, v2;
	_ =	sdelay $0x1  }
0x3f: {  	v3 =	vadd.s32 v1, v3  }
0x40: {  	[tilespmem:s12], [sflag:$0x1] =	stream.indirect_vreg.gather [hbm4b:s3+s4], $0x80, v4, vm0, $0xb8;
	[tilespmem:$0x4080] =	vst v63  }
0x41: {  	_ = 	snop  }
0x42: {  	[tilespmem:s13], [sflag:$0x1] =	stream.indirect_vreg.gather [hbm4b:s8+s4], $0x80, v4, vm0, $0xb8;
	[tilespmem:$0x4080] =	vst v63  }
0x43: {  	_ = 	snop  }
0x44: {  	[tilespmem:s14], [sflag:$0x1] =	stream.indirect_vreg.gather [hbm4b:s3+s4], $0x80, v3, vm0, $0xb8;
	[tilespmem:$0x4080] =	vst v63  }
0x45: {  	_ = 	snop  }
0x46: {  	[tilespmem:s15], [sflag:$0x1] =	stream.indirect_vreg.gather [hbm4b:s8+s4], $0x80, v3, vm0, $0xb8;
	[tilespmem:$0x4080] =	vst v63  }
0x47: {  	v3 =	vld [tilespmem:$0x10];
	_ =	sdelay $0x4  }
0x48: {  	v63 =	vshll.u32 v3, $0x2  }
0x49: {  	v3 =	vand.u32 $0x7, v3;
	v4 =	vand.u32 $0xFFFFFFE0, v63  }
0x4a: {  	v3 =	vor.u32 v3, v4  }
0x4b: {  	v4 =	vperm.xlane v3, v0;
	_ =	sdelay $0x1  }
0x4c: {  	v4 =	vadd.s32 v1, v4;
	_ =	sdelay $0x1  }
0x4d: {  	v3 =	vperm.xlane v3, v2;
	_ =	sdelay $0x1  }
0x4e: {  	v3 =	vadd.s32 v1, v3  }
0x4f: {  	[tilespmem:s16], [sflag:$0x1] =	stream.indirect_vreg.gather [hbm4b:s3+s4], $0x80, v4, vm0, $0xb8;
	[tilespmem:$0x4080] =	vst v63  }
0x50: {  	_ = 	snop  }
0x51: {  	[tilespmem:s17], [sflag:$0x1] =	stream.indirect_vreg.gather [hbm4b:s8+s4], $0x80, v4, vm0, $0xb8;
	[tilespmem:$0x4080] =	vst v63  }
0x52: {  	_ = 	snop  }
0x53: {  	[tilespmem:s18], [sflag:$0x1] =	stream.indirect_vreg.gather [hbm4b:s3+s4], $0x80, v3, vm0, $0xb8;
	[tilespmem:$0x4080] =	vst v63  }
0x54: {  	_ = 	snop  }
0x55: {  	[tilespmem:s19], [sflag:$0x1] =	stream.indirect_vreg.gather [hbm4b:s8+s4], $0x80, v3, vm0, $0xb8;
	[tilespmem:$0x4080] =	vst v63  }
0x56: {  	_ =	swait.ge [sflag:s20], $0x4000  }
0x57: {  	p0 =	sne.s32 s10, $0x1;
	[sflag:s20] =	ssyncset.done $0x0  }
.Ltmp0:
0x58: {  	[sflag:s20] =	ssyncadd.s32 $0xFFFFC000;
	(pc) =	sbr.rel @p0 .LBB2_1-.Ltmp0, $4  }
0x59: {  	[hbm4b:s9+s4] =	stream.linear.scatter [tilespmem:s12], [sflag:$0x2], $0x4000, $0x38;
	[tilespmem:$0x4080] =	vst v63  }
0x5a: {  	_ =	swait.ge [sflag:s11], $0x4000  }
0x5b: {  	[sflag:s11] =	ssyncset.done $0x0  }
0x5c: {  	s10 =	sadd.s32 $0xFFFFFFFF, s10;
	[sflag:s11] =	ssyncadd.s32 $0xFFFFC000  }
0x5d: {  	_ =	sfence.sel $0x180000  }
0x5e: {  	[bflag:$0x0] =	sbarrier.arrive $0xFFFF  }
0x5f: {  	p0 =	sne.s32 s1, $0x0;
	_ =	strace $0x90000047  }
0x60: {  	s0 =	sadd.s32 @!p0 $0x100000, s0;
	[bflag:$0x2] =	sbarrier.arrive $0xFFFF  }
0x61: {  	[sflag:s0] =	ssyncadd.tile.s32 @!p0 $0x1;
	_ =	shalt  }
.Lfunc_end2:
_tile_overlayer_lowered:
.L_overlay_start_2:
0x62: {  	(tag) =	ssettag $0x2  }
0x63: {  	s0 =	rddreg [dreg:$0x0];
	s2 =	stileid.u32  }
0x64: {  	s1 =	rddreg [dreg:$0x1];
	p0 =	sne.s32 s2, $0x0  }
0x65: {  	s3 =	rddreg [dreg:$0x2];
	[bflag:$0x3] =	sbarrier.arrive $0xFFFF;
	s2 =	simm.s32 @!p0 $0x1C02  }
0x66: {  	[timem:s3], [sflag:s2] =	dma.local @!p0 [hbm:s0], s1  }
0x67: {  	s0 =	simm.s32 @!p0 $0x2  }
0x68: {  	_ =	swait.ge @!p0 [sflag:s0], s1  }
0x69: {  	s1 =	ssub.s32 @!p0 $0x0, s1;
	[sflag:s0] =	ssyncset.done @!p0 $0x0  }
0x6a: {  	[sflag:s0] =	ssyncadd.s32 @!p0 s1  }
0x6b: {  	[bflag:$0x3] =	sbarrier.arrive $0xFFFF  }
0x6c: {  	_ =	shalt  }

// kernel: kernel.9.cloned.1.call-start
scs
__scs_entry_jumppad:
0x0: {  	(pc) =	sbr.rel $0x88, $3  }
0x1: {  	(tag) =	ssettag $0x0;
	lr =	simm.s32 $0x1  }
0x2: {  	[smem:$0x3F9C] =	sst lr;
	_ =	strace $0xD0000000  }
0x3: {  	_ = 	snop  }
0x4: {  	_ = 	snop  }
0x5: {  	_ = 	snop  }
0x6: {  	_ = 	snop  }
0x7: {  	_ = 	snop  }
__scs_overlays_trampoline_lowered:
0x8: {  	[smem:$0x3FAB] =	sst s0  }
0x9: {  	[smem:$0x3FAC] =	sst s1  }
0xa: {  	[smem:$0x3FAD] =	sst s2  }
0xb: {  	[smem:$0x3FAE] =	sst s3  }
0xc: {  	[smem:$0x3FAF] =	sst s4  }
0xd: {  	[smem:$0x3FB0] =	sst s5  }
0xe: {  	[smem:$0x3FB1] =	sst s6  }
0xf: {  	[smem:$0x3FB2] =	sst s7  }
0x10: {  	[smem:$0x3FB3] =	sst s8  }
0x11: {  	[smem:$0x3FB4] =	sst s9;
	s0 =	simm.s32 @!p0 $0x0  }
0x12: {  	s1 =	sld [smem:$0x3F9A];
	s0 =	simm.s32 @p0 $0x1  }
0x13: {  	[smem:$0x3FB5] =	sst s0;
	s0 =	simm.s32 @!p1 $0x0  }
0x14: {  	s2 =	sld [smem:$0x3F99];
	s0 =	simm.s32 @p1 $0x1  }
0x15: {  	[smem:$0x3FB6] =	sst s0;
	s0 =	simm.s32 @!p2 $0x0  }
0x16: {  	s3 =	sld [smem:$0x3FDB];
	s0 =	simm.s32 @p2 $0x1  }
0x17: {  	s4 =	simm.s32 $0x1BF5;
	[smem:$0x3FB8] =	sst s0  }
0x18: {  	s0 =	sld [smem:$0x3F9B];
	_ =	swait.ge [sflag:s4], $0x0  }
0x19: {  	s7 =	sld [smem:$0x3F9C]  }
0x1a: {  	s8 =	sadd.s32 $0xFFFFE003, lr  }
0x1b: {  	s9 =	sadd.s32 $0xFFFFFEF7, lr;
	s5 =	simm.s32 $0xFFFFFFFF;
	p2 =	slt.u32 s8, $0xFFFFF086  }
0x1c: {  	p1 =	slt.u32 s9, $0xF7A;
	s5 =	simm.s32 @!p2 $0x0  }
0x1d: {  	s5 =	simm.s32 @p1 $0x1;
	p0 =	seq.s32 s7, s2  }
0x1e: {  	s7 =	smul.u32 @!p0 $0xF7A, s2;
	p2 =	seq.s32 @!p0 s5, $0x0  }
0x1f: {  	s9 =	smul.u32 $0xF7A, s1;
	s8 =	simm.s32 @!p0 $0x1BF5;
	p2 =	por !p2, p0  }
0x20: {  	[sflag:s8] =	ssyncset.s32 @!p0 $0xFFFFF086;
	s6 =	sadd.s32 @!p0 s3, s7;
	s7 =	simm.s32 @!p0 $0x108  }
0x21: {  	s3 =	sadd.s32 s3, s9;
	s6 =	sadd.s32 @!p0 $0x88, s6;
	s7 =	simm.s32 @p2 $0x1082  }
0x22: {  	[simem:s7], [sflag:s8] =	dma.local @!p0 [hbm:s6], $0xF7A  }
0x23: {  	s9 =	sor.u32 $0xD0000000, s2;
	s6 =	simm.s32 $0x108;
	_ =	swait.ge @!p0 [sflag:s8], $0x0  }
0x24: {  	s3 =	sadd.s32 $0x88, s3;
	s6 =	simm.s32 @!p1 $0x1082;
	[sflag:s4] =	ssyncset.s32 $0xFFFFF086  }
0x25: {  	[simem:s6], [sflag:s4] =	dma.local [hbm:s3], $0xF7A  }
0x26: {  	[smem:$0x3F9C] =	sst s1;
	(tag) =	ssettag s2;
	_ =	strace s9  }
0x27: {  	s1 =	sld [smem:$0x3FAC]  }
0x28: {  	s2 =	sld [smem:$0x3FAD]  }
0x29: {  	s4 =	sld [smem:$0x3FAF]  }
0x2a: {  	p0 =	seq.s32 s5, $0x0;
	s5 =	sld [smem:$0x3FB0]  }
0x2b: {  	s6 =	sld [smem:$0x3FB1]  }
0x2c: {  	s7 =	sld [smem:$0x3FB2]  }
0x2d: {  	s3 =	simm.s32 $0x108;
	s8 =	sld [smem:$0x3FB3]  }
0x2e: {  	s3 =	simm.s32 @!p0 $0x1082;
	s9 =	sld [smem:$0x3FB4]  }
0x2f: {  	lr =	sadd.s32 s0, s3;
	s0 =	sld [smem:$0x3FAB]  }
0x30: {  	s3 =	sld [smem:$0x3FAE]  }
0x31: {  	[smem:$0x3FB7] =	sst s10  }
0x32: {  	s10 =	sld [smem:$0x3FB5];
	_ =	sdelay $0x3  }
0x33: {  	p0 =	seq.s32 s10, $0x1;
	s10 =	sld [smem:$0x3FB7];
	_ =	sdelay $0x3  }
0x34: {  	[smem:$0x3FB7] =	sst s10  }
0x35: {  	s10 =	sld [smem:$0x3FB6];
	_ =	sdelay $0x3  }
0x36: {  	p1 =	seq.s32 s10, $0x1;
	s10 =	sld [smem:$0x3FB7];
	_ =	sdelay $0x3  }
0x37: {  	[smem:$0x3FB7] =	sst s10  }
0x38: {  	s10 =	sld [smem:$0x3FB8]  }
0x39: {  	_ = 	snop;
	(pc) =	sbr.ind lr, $3  }
0x3a: {  	_ = 	snop  }
0x3b: {  	_ = 	snop  }
0x3c: {  	p2 =	seq.s32 s10, $0x1;
	s10 =	sld [smem:$0x3FB7]  }
0x3d: {  	_ =	shalt  }
0x3e: {  	_ =	shalt  }
0x3f: {  	_ =	shalt  }
0x40: {  	_ =	shalt  }
0x41: {  	_ =	shalt  }
0x42: {  	_ =	shalt  }
0x43: {  	_ =	shalt  }
0x44: {  	_ =	shalt  }
0x45: {  	_ =	shalt  }
0x46: {  	_ =	shalt  }
0x47: {  	_ =	shalt  }
0x48: {  	_ =	shalt  }
0x49: {  	_ =	shalt  }
0x4a: {  	_ =	shalt  }
0x4b: {  	_ =	shalt  }
0x4c: {  	_ =	shalt  }
0x4d: {  	_ =	shalt  }
0x4e: {  	_ =	shalt  }
0x4f: {  	_ =	shalt  }
0x50: {  	_ =	shalt  }
0x51: {  	_ =	shalt  }
0x52: {  	_ =	shalt  }
0x53: {  	_ =	shalt  }
0x54: {  	_ =	shalt  }
0x55: {  	_ =	shalt  }
0x56: {  	_ =	shalt  }
0x57: {  	_ =	shalt  }
0x58: {  	_ =	shalt  }
0x59: {  	_ =	shalt  }
0x5a: {  	_ =	shalt  }
0x5b: {  	_ =	shalt  }
0x5c: {  	_ =	shalt  }
0x5d: {  	_ =	shalt  }
0x5e: {  	_ =	shalt  }
0x5f: {  	_ =	shalt  }
0x60: {  	_ =	shalt  }
0x61: {  	_ =	shalt  }
0x62: {  	_ =	shalt  }
0x63: {  	_ =	shalt  }
0x64: {  	_ =	shalt  }
0x65: {  	_ =	shalt  }
0x66: {  	_ =	shalt  }
0x67: {  	_ =	shalt  }
0x68: {  	_ =	shalt  }
0x69: {  	_ =	shalt  }
0x6a: {  	_ =	shalt  }
0x6b: {  	_ =	shalt  }
0x6c: {  	_ =	shalt  }
0x6d: {  	_ =	shalt  }
0x6e: {  	_ =	shalt  }
0x6f: {  	_ =	shalt  }
0x70: {  	_ =	shalt  }
0x71: {  	_ =	shalt  }
0x72: {  	_ =	shalt  }
0x73: {  	_ =	shalt  }
0x74: {  	_ =	shalt  }
0x75: {  	_ =	shalt  }
0x76: {  	_ =	shalt  }
0x77: {  	_ =	shalt  }
0x78: {  	_ =	shalt  }
0x79: {  	_ =	shalt  }
0x7a: {  	_ =	shalt  }
0x7b: {  	_ =	shalt  }
0x7c: {  	_ =	shalt  }
0x7d: {  	_ =	shalt  }
0x7e: {  	_ =	shalt  }
0x7f: {  	_ =	shalt  }
0x80: {  	_ =	shalt  }
0x81: {  	_ =	shalt  }
0x82: {  	_ =	shalt  }
0x83: {  	_ =	shalt  }
0x84: {  	_ =	shalt  }
0x85: {  	_ =	shalt  }
0x86: {  	_ =	shalt  }
0x87: {  	_ =	shalt  }
.Lfunc_end0:
.L_simem_size_0:
called_computation.1_lowered:
.L_overlay_start_0:
0x88: {  	s2 =	sld [smem:$0x3FD9]  }
0x89: {  	s3 =	sld [smem:$0x3FFE];
	_ =	sdelay $0x1  }
0x8a: {  	s1 =	srdreg.scid  }
0x8b: {  	s0 =	sand.u32 $0x1, s1  }
0x8c: {  	s17 =	sshll.u32 s0, $0xA;
	s2 =	sadd.s32 s3, s2  }
0x8d: {  	s2 =	sadd.s32 s2, s17  }
0x8e: {  	[smem:$0x3FC3] =	sst s2  }
0x8f: {  	_ = 	snop  }
0x90: {  	s2 =	sld [smem:$0x3FD0];
	(tm) =	ssettm $0x1  }
0x91: {  	s18 =	sld [smem:$0x3FFB];
	_ =	sdelay $0x3  }
0x92: {  	_ =	strace s18  }
0x93: {  	s3 =	sld [smem:$0x3FFC];
	_ =	sdelay $0x3  }
0x94: {  	_ =	strace s3  }
0x95: {  	s3 =	sld [smem:$0x3FFD];
	_ =	sdelay $0x3  }
0x96: {  	_ =	strace s3  }
0x97: {  	_ =	strace $0x8FFFFFFF  }
0x98: {  	s19 =	sld [smem:$0x3FDB];
	_ =	sdelay $0x1  }
0x99: {  	s4 =	simm.s32 $_scs_section_size  }
0x9a: {  	s5 =	simm.s32 $_size__tile_overlayer_lowered;
	s6 =	simm.s32 $_tile_overlayer_lowered  }
0x9b: {  	s22 =	simm.s32 $0x1BFF;
	s21 =	sshll.u32 s6, $0x1;
	s3 =	sadd.s32 s4, s19  }
0x9c: {  	s7 =	simm.s32 $0x0;
	s20 =	sshll.u32 s5, $0x1;
	s5 =	sadd.s32 s21, s3  }
0x9d: {  	[timem:s7], [sflag:s22] =	dma.local [hbm:s5], s20  }
0x9e: {  	_ =	swait.ge [sflag:s22], s20  }
0x9f: {  	s4 =	ssub.s32 $0x0, s20;
	[sflag:s22] =	ssyncset.done $0x0  }
0xa0: {  	[sflag:s22] =	ssyncadd.s32 s4;
	_ =	sdelay $0x1  }
0xa1: {  	s23 =	simm.s32 $0x1B8B  }
0xa2: {  	_ =	swait.ge [sflag:s23], $0x1  }
0xa3: {  	[sflag:s23] =	ssyncset.done $0x0  }
0xa4: {  	s25 =	simm.s32 $0x1B8E;
	s24 =	sld [smem:$0x3FFE];
	[sflag:s23] =	ssyncadd.s32 $0xFFFFFFFF  }
0xa5: {  	s26 =	simm.s32 $execute0_lowered;
	[smem:$0x3FD2] =	sst s25  }
0xa6: {  	s5 =	sshll.u32 s26, $0x1;
	_ =	strace $0x80000049;
	[dreg:$0x1] =	wrdreg $0xFFFFFFFF  }
0xa7: {  	s28 =	simm.s32 $_size_execute0_lowered;
	s3 =	sadd.s32 s3, s5;
	[dreg:$0x0] =	wrdreg $0x0  }
0xa8: {  	s5 =	sshll.u32 s28, $0x1;
	[dreg:$0x2] =	wrdreg s3  }
0xa9: {  	[dreg:$0x3] =	wrdreg s5  }
0xaa: {  	[dreg:$0x4] =	wrdreg $0xC0  }
0xab: {  	_ =	task [dreg:s7], $0x5FFFF  }
0xac: {  	[dreg:$0x1] =	wrdreg $0xFFFFFFFF  }
0xad: {  	[dreg:$0x0] =	wrdreg $0x60  }
0xae: {  	[dreg:$0x2] =	wrdreg s24  }
0xaf: {  	[dreg:$0x3] =	wrdreg s2  }
0xb0: {  	[dreg:$0x4] =	wrdreg $0x9  }
0xb1: {  	_ =	task.clear_ibuf [dreg:s7], $0x5FFFF;
	_ =	strace $0x90000049  }
0xb2: {  	s29 =	simm.s32 $0x9;
	_ =	strace $0x8000004B  }
0xb3: {  	_ =	swait.ge [sflag:s29], $0x1  }
0xb4: {  	[sflag:s29] =	ssyncadd.s32 $0xFFFFFFFF  }
0xb5: {  	_ =	strace $0x9000004B  }
0xb6: {  	_ =	sfence  }
0xb7: {  	s30 =	sld [smem:$0x0];
	_ =	sdelay $0x2  }
0xb8: {  	s31 =	sshll.u32 s1, $0xD;
	s1 =	sshrl.u32 s1, $0x2  }
0xb9: {  	s3 =	sand.u32 $0x4000, s31;
	s1 =	sadd.s32 s1, s30  }
0xba: {  	s0 =	sor.u32 s3, s0;
	s1 =	sshll.u32 s1, $0x11  }
0xbb: {  	s0 =	sor.u32 s1, s0  }
0xbc: {  	s0 =	sadd.s32 $0x8F2B, s0  }
0xbd: {  	[sflag:s0] =	ssyncadd.remote.s32 $0x1  }
0xbe: {  	_ =	sfence.sel $0xFFFF  }
0xbf: {  	[dreg:$0x0] =	wrdreg $0xFFFFFFFF;
	(pc) =	sbr.abs _section_cstart, $3  }
0xc0: {  	[dreg:$0x1] =	wrdreg $0xFFFFFFFF  }
0xc1: {  	_ =	task.clear_ibuf [dreg:s7], $0x2FFFF;
	_ =	strace $0x9FFFFFFF  }
0xc2: {  	(tm) =	ssettm $0x7FFFFFFF  }
0xc3: {  	_ =	shalt  }
tec
execute0_lowered:
.L_overlay_start_1:
0x0: {  	(tag) =	ssettag $0x1  }
0x1: {  	s4 =	rddreg [dreg:$0x0]  }
0x2: {  	s2 =	rddreg [dreg:$0x1];
	s3 =	srdreg.scid  }
0x3: {  	s0 =	rddreg [dreg:$0x2];
	s1 =	stileid.u32;
	s10 =	simm.s32 $0x2  }
0x4: {  	s11 =	simm.s32 $0x80;
	s12 =	simm.s32 $0x880;
	s13 =	simm.s32 $0x1080  }
0x5: {  	s14 =	simm.s32 $0x1880;
	s15 =	simm.s32 $0x2080;
	s16 =	simm.s32 $0x2880  }
0x6: {  	s17 =	simm.s32 $0x3080;
	s18 =	simm.s32 $0x3880;
	s19 =	simm.s32 $0x4080  }
0x7: {  	s20 =	simm.s32 $0x4880;
	s21 =	simm.s32 $0x5080;
	s22 =	simm.s32 $0x5880  }
0x8: {  	s23 =	simm.s32 $0x6080;
	s24 =	simm.s32 $0x6880;
	s25 =	simm.s32 $0x7080  }
0x9: {  	s26 =	simm.s32 $0x7880;
	s28 =	simm.s32 $0x1;
	s5 =	sand.u32 $0x1, s3  }
0xa: {  	s3 =	simm.s32 $0x0;
	s6 =	sshll.u32 s1, $0x6;
	s7 =	sshll.u32 s5, $0x5  }
0xb: {  	[smem:$0x7FF] =	sst s3;
	s5 =	ssub.s32 $0x2, s5;
	s6 =	sor.u32 s7, s6  }
0xc: {  	_ =	strace $0x8000004A;
	s8 =	sshrl.u32 s5, $0x1;
	s7 =	sshll.u32 s6, $0x7  }
0xd: {  	v2 =	vlaneseq.u32;
	s9 =	ssub.s32 s5, s8;
	s31 =	sshrl.u32 s6, $0x3;
	s6 =	sadd.s32 $0x100, s2  }
0xe: {  	vm0 =	vmmov $0xffff;
	v1 =	vshrl.u32 v2, $0x3;
	s8 =	sadd.s32 $0x300, s2;
	s7 =	sadd.s32 s7, s4;
	s4 =	sadd.s32 s4, s31  }
0xf: {  	v0 =	vand.u32 $0x7, v2;
	v2 =	vor.u32 $0x8, v2;
	v1 =	vmul.u32 $0x8, v1;
	s9 =	smax.u32 s9, $0x1;
	s5 =	sadd.s32 $0x2C200, s7;
	s7 =	sadd.s32 $0x200, s2  }
.LBB2_1:
0x10: {  	[tilespmem:s3], [sflag:$0x2] =	stream.linear.gather [hbm4b:s4+s3], $0x20, $0x38;
	[tilespmem:$0x8080] =	vst v63  }
0x11: {  	_ =	swait.ge [sflag:s10], $0x20  }
0x12: {  	[sflag:s10] =	ssyncset.done $0x0  }
0x13: {  	[sflag:s10] =	ssyncadd.s32 $0xFFFFFFE0  }
0x14: {  	[tilespmem:s11], [sflag:$0x2] =	stream.linear.gather [hbm4b:s5+s3], $0x8000, $0x38;
	[tilespmem:$0x8080] =	vst v63  }
0x15: {  	_ =	swait.ge [sflag:s10], $0x8000  }
0x16: {  	[sflag:s10] =	ssyncset.done $0x0  }
0x17: {  	[sflag:s10] =	ssyncadd.s32 $0xFFFF8000  }
0x18: {  	v3 =	vld [tilespmem:$0x0];
	_ =	sdelay $0x4  }
0x19: {  	v4 =	vshll.u32 v3, $0x3  }
0x1a: {  	v3 =	vand.u32 $0x7, v3;
	v4 =	vand.u32 $0xFFFFFFC0, v4  }
0x1b: {  	v3 =	vor.u32 v3, v4  }
0x1c: {  	v4 =	vperm.xlane v3, v0;
	_ =	sdelay $0x1  }
0x1d: {  	v4 =	vadd.s32 v1, v4;
	_ =	sdelay $0x4  }
0x1e: {  	[hbm4b:s2+s3] =	stream.indirect_vreg.scatter [tilespmem:s11], [sflag:$0x1], $0x80, v4, vm0, $0xb8;
	[tilespmem:$0x8080] =	vst v63  }
0x1f: {  	v3 =	vperm.xlane v3, v2  }
0x20: {  	[hbm4b:s6+s3] =	stream.indirect_vreg.scatter [tilespmem:s12], [sflag:$0x1], $0x80, v4, vm0, $0xb8;
	[tilespmem:$0x8080] =	vst v63  }
0x21: {  	v3 =	vadd.s32 v1, v3  }
0x22: {  	[hbm4b:s7+s3] =	stream.indirect_vreg.scatter [tilespmem:s13], [sflag:$0x1], $0x80, v4, vm0, $0xb8;
	[tilespmem:$0x8080] =	vst v63  }
0x23: {  	_ = 	snop  }
0x24: {  	[hbm4b:s8+s3] =	stream.indirect_vreg.scatter [tilespmem:s14], [sflag:$0x1], $0x80, v4, vm0, $0xb8;
	[tilespmem:$0x8080] =	vst v63  }
0x25: {  	_ = 	snop  }
0x26: {  	[hbm4b:s2+s3] =	stream.indirect_vreg.scatter [tilespmem:s15], [sflag:$0x1], $0x80, v3, vm0, $0xb8;
	[tilespmem:$0x8080] =	vst v63  }
0x27: {  	_ = 	snop  }
0x28: {  	[hbm4b:s6+s3] =	stream.indirect_vreg.scatter [tilespmem:s16], [sflag:$0x1], $0x80, v3, vm0, $0xb8;
	[tilespmem:$0x8080] =	vst v63  }
0x29: {  	_ = 	snop  }
0x2a: {  	[hbm4b:s7+s3] =	stream.indirect_vreg.scatter [tilespmem:s17], [sflag:$0x1], $0x80, v3, vm0, $0xb8;
	[tilespmem:$0x8080] =	vst v63  }
0x2b: {  	_ = 	snop  }
0x2c: {  	[hbm4b:s8+s3] =	stream.indirect_vreg.scatter [tilespmem:s18], [sflag:$0x1], $0x80, v3, vm0, $0xb8;
	[tilespmem:$0x8080] =	vst v63  }
0x2d: {  	v3 =	vld [tilespmem:$0x10];
	_ =	sdelay $0x4  }
0x2e: {  	v63 =	vshll.u32 v3, $0x3  }
0x2f: {  	v3 =	vand.u32 $0x7, v3;
	v4 =	vand.u32 $0xFFFFFFC0, v63  }
0x30: {  	v3 =	vor.u32 v3, v4  }
0x31: {  	v4 =	vperm.xlane v3, v0;
	_ =	sdelay $0x1  }
0x32: {  	v4 =	vadd.s32 v1, v4;
	_ =	sdelay $0x4  }
0x33: {  	[hbm4b:s2+s3] =	stream.indirect_vreg.scatter [tilespmem:s19], [sflag:$0x1], $0x80, v4, vm0, $0xb8;
	[tilespmem:$0x8080] =	vst v63  }
0x34: {  	v3 =	vperm.xlane v3, v2  }
0x35: {  	[hbm4b:s6+s3] =	stream.indirect_vreg.scatter [tilespmem:s20], [sflag:$0x1], $0x80, v4, vm0, $0xb8;
	[tilespmem:$0x8080] =	vst v63  }
0x36: {  	v3 =	vadd.s32 v1, v3  }
0x37: {  	[hbm4b:s7+s3] =	stream.indirect_vreg.scatter [tilespmem:s21], [sflag:$0x1], $0x80, v4, vm0, $0xb8;
	[tilespmem:$0x8080] =	vst v63  }
0x38: {  	_ = 	snop  }
0x39: {  	[hbm4b:s8+s3] =	stream.indirect_vreg.scatter [tilespmem:s22], [sflag:$0x1], $0x80, v4, vm0, $0xb8;
	[tilespmem:$0x8080] =	vst v63  }
0x3a: {  	_ = 	snop  }
0x3b: {  	[hbm4b:s2+s3] =	stream.indirect_vreg.scatter [tilespmem:s23], [sflag:$0x1], $0x80, v3, vm0, $0xb8;
	[tilespmem:$0x8080] =	vst v63  }
0x3c: {  	_ = 	snop  }
0x3d: {  	[hbm4b:s6+s3] =	stream.indirect_vreg.scatter [tilespmem:s24], [sflag:$0x1], $0x80, v3, vm0, $0xb8;
	[tilespmem:$0x8080] =	vst v63  }
0x3e: {  	p0 =	sne.s32 s9, $0x1  }
0x3f: {  	[hbm4b:s7+s3] =	stream.indirect_vreg.scatter [tilespmem:s25], [sflag:$0x1], $0x80, v3, vm0, $0xb8;
	[tilespmem:$0x8080] =	vst v63  }
.Ltmp0:
0x40: {  	_ = 	snop;
	(pc) =	sbr.rel @p0 .LBB2_1-.Ltmp0, $4  }
0x41: {  	[hbm4b:s8+s3] =	stream.indirect_vreg.scatter [tilespmem:s26], [sflag:$0x1], $0x80, v3, vm0, $0xb8;
	[tilespmem:$0x8080] =	vst v63  }
0x42: {  	_ =	swait.ge [sflag:s28], $0x8000  }
0x43: {  	[sflag:s28] =	ssyncset.done $0x0  }
0x44: {  	s9 =	sadd.s32 $0xFFFFFFFF, s9;
	[sflag:s28] =	ssyncadd.s32 $0xFFFF8000  }
0x45: {  	_ =	sfence.sel $0x180000  }
0x46: {  	[bflag:$0x0] =	sbarrier.arrive $0xFFFF  }
0x47: {  	p0 =	sne.s32 s1, $0x0;
	_ =	strace $0x9000004A  }
0x48: {  	s0 =	sadd.s32 @!p0 $0x100000, s0;
	[bflag:$0x2] =	sbarrier.arrive $0xFFFF  }
0x49: {  	[sflag:s0] =	ssyncadd.tile.s32 @!p0 $0x1;
	_ =	shalt  }
.Lfunc_end2:
_tile_overlayer_lowered:
.L_overlay_start_2:
0x4a: {  	(tag) =	ssettag $0x2  }
0x4b: {  	s0 =	rddreg [dreg:$0x0];
	s2 =	stileid.u32  }
0x4c: {  	s1 =	rddreg [dreg:$0x1];
	p0 =	sne.s32 s2, $0x0  }
0x4d: {  	s3 =	rddreg [dreg:$0x2];
	[bflag:$0x3] =	sbarrier.arrive $0xFFFF;
	s2 =	simm.s32 @!p0 $0x1C02  }
0x4e: {  	[timem:s3], [sflag:s2] =	dma.local @!p0 [hbm:s0], s1  }
0x4f: {  	s0 =	simm.s32 @!p0 $0x2  }
0x50: {  	_ =	swait.ge @!p0 [sflag:s0], s1  }
0x51: {  	s1 =	ssub.s32 @!p0 $0x0, s1;
	[sflag:s0] =	ssyncset.done @!p0 $0x0  }
0x52: {  	[sflag:s0] =	ssyncadd.s32 @!p0 s1  }
0x53: {  	[bflag:$0x3] =	sbarrier.arrive $0xFFFF  }
0x54: {  	_ =	shalt  }

</sc_bundles>
